<compile_context>
chip_gen: v7x
topology: tpu7x:2x2x1
jax: 0.10.2.dev20260603
libtpu: 0.0.44.dev20260713+nightly
codegen_flags: <defaults>
</compile_context>

<pallas_src>
import functools

import jax
import jax.numpy as jnp
from jax import lax
from jax.experimental import pallas as pl
from jax.experimental.pallas import tpu as pltpu
from jax.experimental.pallas import tpu_sc as plsc

N_NODES = 10000
N_HE = 5000
NNZ = 320000
IN_CH = 128
HIDDEN = 256

NC = 2
NS = 16
NW = NC * NS

NNZ_W = NNZ // NW
CHUNK = 128
N_FULL = NNZ_W // CHUNK
TAIL = NNZ_W - N_FULL * CHUNK

HE_PAD = 5120
ROWS_T = HE_PAD // NS

NBUF = 4
N_RING = N_FULL - 2


def _sc_segment_sum(x, node_idx, he_idx, zeros_blk):
    mesh = plsc.VectorSubcoreMesh(
        core_axis_name="c", subcore_axis_name="s", num_cores=NC, num_subcores=NS
    )

    @functools.partial(
        pl.kernel,
        out_type=jax.ShapeDtypeStruct((NC, HE_PAD, IN_CH), jnp.float32),
        mesh=mesh,
        scratch_types=[
            [pltpu.VMEM((CHUNK,), jnp.int32) for _ in range(NBUF)],
            [pltpu.VMEM((CHUNK,), jnp.int32) for _ in range(NBUF)],
            [pltpu.VMEM((CHUNK, IN_CH), jnp.float32) for _ in range(NBUF)],
            pltpu.VMEM((TAIL,), jnp.int32),
            pltpu.VMEM((TAIL,), jnp.int32),
            pltpu.VMEM((TAIL, IN_CH), jnp.float32),
            pltpu.VMEM_SHARED((HE_PAD, IN_CH), jnp.float32),
            [pltpu.SemaphoreType.DMA for _ in range(NBUF)],
            [pltpu.SemaphoreType.DMA for _ in range(NBUF)],
        ],
    )
    def seg_sum(x_hbm, ni_hbm, he_hbm, z_hbm, out_hbm,
                ni, he, rows, ni_t, he_t, rows_t, acc, sem_g, sem_s):
        cid = lax.axis_index("c")
        sid = lax.axis_index("s")
        wid = cid * NS + sid
        wstart = wid * NNZ_W

        pltpu.sync_copy(z_hbm, acc.at[pl.ds(sid * ROWS_T, ROWS_T)])
        plsc.subcore_barrier()

        def start_gather(c, b):
            base = wstart + c * CHUNK
            pltpu.sync_copy(ni_hbm.at[pl.ds(base, CHUNK)], ni[b])
            pltpu.sync_copy(he_hbm.at[pl.ds(base, CHUNK)], he[b])
            pltpu.async_copy(x_hbm.at[ni[b]], rows[b], sem_g[b])

        def wait_gather(b):
            pltpu.make_async_copy(x_hbm.at[ni[b]], rows[b], sem_g[b]).wait()

        def start_scatter(b):
            pltpu.async_copy(rows[b], acc.at[he[b]], sem_s[b], add=True)

        def wait_scatter(b):
            pltpu.make_async_copy(rows[b], acc.at[he[b]], sem_s[b]).wait()

        start_gather(0, 0)
        start_gather(1, 1)

        @pl.loop(0, N_RING, step=NBUF)
        def _(i):
            for b in range(NBUF):
                c = i + b
                wait_gather(b)
                start_scatter(b)

                @pl.when(c >= 2)
                def _():
                    wait_scatter((b + 2) % NBUF)

                @pl.when(c + 2 < N_FULL)
                def _():
                    start_gather(c + 2, (b + 2) % NBUF)

        for b, c in ((0, N_RING), (1, N_RING + 1)):
            wait_gather(b)
            start_scatter(b)
            wait_scatter((b + 2) % NBUF)
        wait_scatter(0)
        wait_scatter(1)

        base = wstart + N_FULL * CHUNK
        pltpu.sync_copy(ni_hbm.at[pl.ds(base, TAIL)], ni_t)
        pltpu.sync_copy(he_hbm.at[pl.ds(base, TAIL)], he_t)
        pltpu.async_copy(x_hbm.at[ni_t], rows_t, sem_g[0]).wait()
        pltpu.sync_copy(rows_t, acc.at[he_t], add=True)

        plsc.subcore_barrier()
        pltpu.sync_copy(acc.at[pl.ds(sid * ROWS_T, ROWS_T)],
                        out_hbm.at[cid, pl.ds(sid * ROWS_T, ROWS_T)])

    return seg_sum(x, node_idx, he_idx, zeros_blk)


def _tc_body(x_ref, p_ref, w0_ref, b0_ref, w1_ref, b1_ref, x0_ref, x1_ref):
    x0 = jnp.dot(x_ref[...], w0_ref[...], preferred_element_type=jnp.float32)
    x0_ref[...] = jnp.maximum(x0 + b0_ref[...], 0.0)
    x1in = p_ref[0] + p_ref[1]
    x1 = jnp.dot(x1in, w1_ref[...], preferred_element_type=jnp.float32)
    x1_ref[...] = jnp.maximum(x1 + b1_ref[...], 0.0)


def _tc_dense(x, partials, W0, b0, W1, b1):
    grid = 10
    xb = N_NODES // grid
    pb = HE_PAD // grid
    return pl.pallas_call(
        _tc_body,
        grid=(grid,),
        in_specs=[
            pl.BlockSpec((xb, IN_CH), lambda i: (i, 0)),
            pl.BlockSpec((NC, pb, IN_CH), lambda i: (0, i, 0)),
            pl.BlockSpec((IN_CH, HIDDEN), lambda i: (0, 0)),
            pl.BlockSpec((1, HIDDEN), lambda i: (0, 0)),
            pl.BlockSpec((IN_CH, HIDDEN), lambda i: (0, 0)),
            pl.BlockSpec((1, HIDDEN), lambda i: (0, 0)),
        ],
        out_specs=[
            pl.BlockSpec((xb, HIDDEN), lambda i: (i, 0)),
            pl.BlockSpec((pb, HIDDEN), lambda i: (i, 0)),
        ],
        out_shape=[
            jax.ShapeDtypeStruct((N_NODES, HIDDEN), jnp.float32),
            jax.ShapeDtypeStruct((HE_PAD, HIDDEN), jnp.float32),
        ],
    )(x, partials, W0, b0.reshape(1, HIDDEN), W1, b1.reshape(1, HIDDEN))


@jax.jit
def kernel(x, node_idx, he_idx, y, batch_0, W0, b0, W1, b1):
    zeros_blk = jnp.zeros((ROWS_T, IN_CH), jnp.float32)
    partials = _sc_segment_sum(x, node_idx.astype(jnp.int32),
                               he_idx.astype(jnp.int32), zeros_blk)
    x0_out, x1_pad = _tc_dense(x, partials, W0, b0, W1, b1)
    return (x0_out, x1_pad[:N_HE], y, batch_0)

# --- scband reference (transcript-rebuilt; emitter-appended) ---
"""Pipeline reference for scband-torch-model-29145648070775 (READ-ONLY COPY).

The authoritative reference and input builder live on the scoring server;
editing this copy changes nothing except your own understanding.
"""

import jax, jax.numpy as jnp
import numpy as np

N_NODES = 10000
N_HYPEREDGES = 5000
NNZ = 320000
IN_CH = 128
HIDDEN = 256


def setup_inputs(seed: int = 0) -> dict:
    key = jax.random.key(seed)
    k_x, k_ni, k_hi, k_y, k_b, k_w0, k_b0, k_w1, k_b1 = jax.random.split(key, 9)
    x = jax.random.normal(k_x, (N_NODES, IN_CH), dtype=jnp.float32)
    node_idx = jax.random.randint(k_ni, (NNZ,), 0, N_NODES, dtype=jnp.int64 if jax.config.jax_enable_x64 else jnp.int32)
    he_idx = jax.random.randint(k_hi, (NNZ,), 0, N_HYPEREDGES, dtype=jnp.int64 if jax.config.jax_enable_x64 else jnp.int32)
    y = jax.random.randint(k_y, (N_NODES,), 0, 10)
    batch_0 = jnp.sort(jax.random.randint(k_b, (N_NODES,), 0, 16))
    s0 = 1.0 / np.sqrt(IN_CH)
    W0 = jax.random.uniform(k_w0, (IN_CH, HIDDEN), dtype=jnp.float32, minval=-s0, maxval=s0)
    b0 = jax.random.uniform(k_b0, (HIDDEN,), dtype=jnp.float32, minval=-s0, maxval=s0)
    W1 = jax.random.uniform(k_w1, (IN_CH, HIDDEN), dtype=jnp.float32, minval=-s0, maxval=s0)
    b1 = jax.random.uniform(k_b1, (HIDDEN,), dtype=jnp.float32, minval=-s0, maxval=s0)
    return {"x": x, "node_idx": node_idx, "he_idx": he_idx, "y": y, "batch_0": batch_0, "W0": W0, "b0": b0, "W1": W1, "b1": b1}


def reference(x, node_idx, he_idx, y, batch_0, W0, b0, W1, b1):
    # x_1 = torch.sparse.mm(incidence_hyperedges, x_0)
    # incidence_hyperedges is a binary sparse [n_hyperedges, n_nodes] matrix
    # represented in COO form as (he_idx, node_idx) with implicit value 1.0.
    gathered = jnp.take(x, node_idx, axis=0)            # [NNZ, IN_CH] gather
    x1 = jax.ops.segment_sum(gathered, he_idx, num_segments=N_HYPEREDGES)  # scatter-add
    # x_0 = relu(linear_0(x_0))
    x0_out = jax.nn.relu(x @ W0 + b0)
    # x_1 = relu(linear_1(x_1))
    x1_out = jax.nn.relu(x1 @ W1 + b1)
    # model_out = {'labels': y, 'batch_0': batch_0, 'x_0': x0_out, 'hyperedge': x1_out}
    return (x0_out, x1_out, y, batch_0)

if __name__ == "__main__":
    import jax
    _d = setup_inputs()
    print(jax.jit(kernel)(*tuple(_d.values())))

</pallas_src>

<mosaic_0001>
#map = affine_map<(d0, d1) -> (0, 0)>
#map1 = affine_map<(d0, d1) -> (0)>
#map2 = affine_map<(d0, d1) -> (0, 0, 0)>
module attributes {stable_mosaic.version = 14 : i64} {
  func.func @seg_sum(%arg0: i32, %arg1: i32, %arg2: memref<10000x128xf32, #tpu.memory_space<hbm>>, %arg3: memref<320000xi32, #tpu.memory_space<hbm>>, %arg4: memref<320000xi32, #tpu.memory_space<hbm>>, %arg5: memref<320x128xf32, #tpu.memory_space<hbm>>, %arg6: memref<2x5120x128xf32, #tpu.memory_space<hbm>>, %arg7: memref<128xi32, #tpu.memory_space<vmem>>, %arg8: memref<128xi32, #tpu.memory_space<vmem>>, %arg9: memref<128xi32, #tpu.memory_space<vmem>>, %arg10: memref<128xi32, #tpu.memory_space<vmem>>, %arg11: memref<128xi32, #tpu.memory_space<vmem>>, %arg12: memref<128xi32, #tpu.memory_space<vmem>>, %arg13: memref<128xi32, #tpu.memory_space<vmem>>, %arg14: memref<128xi32, #tpu.memory_space<vmem>>, %arg15: memref<128x128xf32, #tpu.memory_space<vmem>>, %arg16: memref<128x128xf32, #tpu.memory_space<vmem>>, %arg17: memref<128x128xf32, #tpu.memory_space<vmem>>, %arg18: memref<128x128xf32, #tpu.memory_space<vmem>>, %arg19: memref<16xi32, #tpu.memory_space<vmem>>, %arg20: memref<16xi32, #tpu.memory_space<vmem>>, %arg21: memref<16x128xf32, #tpu.memory_space<vmem>>, %arg22: memref<5120x128xf32, #tpu.memory_space<vmem_shared>>, %arg23: memref<!tpu.dma_semaphore, #tpu.memory_space<semaphore_mem>>, %arg24: memref<!tpu.dma_semaphore, #tpu.memory_space<semaphore_mem>>, %arg25: memref<!tpu.dma_semaphore, #tpu.memory_space<semaphore_mem>>, %arg26: memref<!tpu.dma_semaphore, #tpu.memory_space<semaphore_mem>>, %arg27: memref<!tpu.dma_semaphore, #tpu.memory_space<semaphore_mem>>, %arg28: memref<!tpu.dma_semaphore, #tpu.memory_space<semaphore_mem>>, %arg29: memref<!tpu.dma_semaphore, #tpu.memory_space<semaphore_mem>>, %arg30: memref<!tpu.dma_semaphore, #tpu.memory_space<semaphore_mem>>) attributes {dimension_semantics = [#tpu.dimension_semantics<core_parallel>, #tpu.dimension_semantics<subcore_parallel>], iteration_bounds = array<i64: 2, 16>, scalar_prefetch = 0 : i64, scratch_operands = 24 : i64, tpu.core_type = #tpu.core_type<sc_vector_subcore>, window_params = [{transform_indices = #map}, {transform_indices = #map1}, {transform_indices = #map1}, {transform_indices = #map}, {transform_indices = #map2}]} {
    %mul3A = arith.constant 16 : i32
    %mul3A_0 = arith.muli %arg0, %mul3A : i32
    %add3A = arith.addi %mul3A_0, %arg1 : i32
    %mul3A_1 = arith.constant 10000 : i32
    %mul3A_2 = arith.muli %add3A, %mul3A_1 : i32
    %mul3A_3 = arith.constant 320 : i32
    %mul3A_4 = arith.muli %arg1, %mul3A_3 : i32
    "tpu.region"() ({
      %run_scoped3A = tpu.sem_alloc : memref<!tpu.dma_semaphore, #tpu.memory_space<semaphore_mem>>
      %dma_start3A_54 = arith.constant 0 : i32
      %dma_start3A_55 = tpu.memref_slice %arg22[%mul3A_4, %dma_start3A_54] : memref<5120x128xf32, #tpu.memory_space<vmem_shared>> -> memref<320x128xf32, #tpu.memory_space<vmem_shared>>
      tpu.enqueue_dma source(%arg5 : memref<320x128xf32, #tpu.memory_space<hbm>>) target(%dma_start3A_55 : memref<320x128xf32, #tpu.memory_space<vmem_shared>>) target_semaphore(%run_scoped3A : memref<!tpu.dma_semaphore, #tpu.memory_space<semaphore_mem>>)
      %dma_wait3A_56 = arith.constant 0 : i32
      %dma_wait3A_57 = tpu.memref_slice %arg22[%mul3A_4, %dma_wait3A_56] : memref<5120x128xf32, #tpu.memory_space<vmem_shared>> -> memref<320x128xf32, #tpu.memory_space<vmem_shared>>
      tpu.wait_dma2 semaphore(%run_scoped3A : memref<!tpu.dma_semaphore, #tpu.memory_space<semaphore_mem>>) src(%arg5 : memref<320x128xf32, #tpu.memory_space<hbm>>) dst(%dma_wait3A_57 : memref<320x128xf32, #tpu.memory_space<vmem_shared>>)
      tpu.yield
    }) : () -> ()
    %barrier3A = arith.constant 0 : index
    tpu.barrier barrier_id(%barrier3A)
    %add3A_5 = arith.constant 0 : i32
    %add3A_6 = arith.addi %mul3A_2, %add3A_5 : i32
    "tpu.region"() ({
      %run_scoped3A = tpu.sem_alloc : memref<!tpu.dma_semaphore, #tpu.memory_space<semaphore_mem>>
      %dma_start3A_54 = tpu.memref_slice %arg3[%add3A_6] : memref<320000xi32, #tpu.memory_space<hbm>> -> memref<128xi32, #tpu.memory_space<hbm>>
      %dma_start3A_55 = tpu.memref_slice %arg3[%add3A_6] : memref<320000xi32, #tpu.memory_space<hbm>> -> memref<128xi32, #tpu.memory_space<hbm>>
      tpu.enqueue_dma source(%dma_start3A_55 : memref<128xi32, #tpu.memory_space<hbm>>) target(%arg7 : memref<128xi32, #tpu.memory_space<vmem>>) target_semaphore(%run_scoped3A : memref<!tpu.dma_semaphore, #tpu.memory_space<semaphore_mem>>)
      %dma_wait3A_56 = tpu.memref_slice %arg3[%add3A_6] : memref<320000xi32, #tpu.memory_space<hbm>> -> memref<128xi32, #tpu.memory_space<hbm>>
      %dma_wait3A_57 = tpu.memref_slice %arg3[%add3A_6] : memref<320000xi32, #tpu.memory_space<hbm>> -> memref<128xi32, #tpu.memory_space<hbm>>
      tpu.wait_dma2 semaphore(%run_scoped3A : memref<!tpu.dma_semaphore, #tpu.memory_space<semaphore_mem>>) src(%dma_wait3A_57 : memref<128xi32, #tpu.memory_space<hbm>>) dst(%arg7 : memref<128xi32, #tpu.memory_space<vmem>>)
      tpu.yield
    }) : () -> ()
    "tpu.region"() ({
      %run_scoped3A = tpu.sem_alloc : memref<!tpu.dma_semaphore, #tpu.memory_space<semaphore_mem>>
      %dma_start3A_54 = tpu.memref_slice %arg4[%add3A_6] : memref<320000xi32, #tpu.memory_space<hbm>> -> memref<128xi32, #tpu.memory_space<hbm>>
      %dma_start3A_55 = tpu.memref_slice %arg4[%add3A_6] : memref<320000xi32, #tpu.memory_space<hbm>> -> memref<128xi32, #tpu.memory_space<hbm>>
      tpu.enqueue_dma source(%dma_start3A_55 : memref<128xi32, #tpu.memory_space<hbm>>) target(%arg11 : memref<128xi32, #tpu.memory_space<vmem>>) target_semaphore(%run_scoped3A : memref<!tpu.dma_semaphore, #tpu.memory_space<semaphore_mem>>)
      %dma_wait3A_56 = tpu.memref_slice %arg4[%add3A_6] : memref<320000xi32, #tpu.memory_space<hbm>> -> memref<128xi32, #tpu.memory_space<hbm>>
      %dma_wait3A_57 = tpu.memref_slice %arg4[%add3A_6] : memref<320000xi32, #tpu.memory_space<hbm>> -> memref<128xi32, #tpu.memory_space<hbm>>
      tpu.wait_dma2 semaphore(%run_scoped3A : memref<!tpu.dma_semaphore, #tpu.memory_space<semaphore_mem>>) src(%dma_wait3A_57 : memref<128xi32, #tpu.memory_space<hbm>>) dst(%arg11 : memref<128xi32, #tpu.memory_space<vmem>>)
      tpu.yield
    }) : () -> ()
    %dma_start3A = arith.constant 0 : i32
    %dma_start3A_7 = arith.constant 0 : i32
    %dma_start3A_8 = tpu.memref_slice %arg2[%dma_start3A, %dma_start3A_7] : memref<10000x128xf32, #tpu.memory_space<hbm>> -> memref<10000x128xf32, #tpu.memory_space<hbm>>
    tpu.enqueue_indirect_dma source(%dma_start3A_8 : memref<10000x128xf32, #tpu.memory_space<hbm>>) target(%arg15 : memref<128x128xf32, #tpu.memory_space<vmem>>) offsets(%arg7 : memref<128xi32, #tpu.memory_space<vmem>>) semaphore(%arg23 : memref<!tpu.dma_semaphore, #tpu.memory_space<semaphore_mem>>)
    %add3A_9 = arith.constant 128 : i32
    %add3A_10 = arith.addi %mul3A_2, %add3A_9 : i32
    "tpu.region"() ({
      %run_scoped3A = tpu.sem_alloc : memref<!tpu.dma_semaphore, #tpu.memory_space<semaphore_mem>>
      %dma_start3A_54 = tpu.memref_slice %arg3[%add3A_10] : memref<320000xi32, #tpu.memory_space<hbm>> -> memref<128xi32, #tpu.memory_space<hbm>>
      %dma_start3A_55 = tpu.memref_slice %arg3[%add3A_10] : memref<320000xi32, #tpu.memory_space<hbm>> -> memref<128xi32, #tpu.memory_space<hbm>>
      tpu.enqueue_dma source(%dma_start3A_55 : memref<128xi32, #tpu.memory_space<hbm>>) target(%arg8 : memref<128xi32, #tpu.memory_space<vmem>>) target_semaphore(%run_scoped3A : memref<!tpu.dma_semaphore, #tpu.memory_space<semaphore_mem>>)
      %dma_wait3A_56 = tpu.memref_slice %arg3[%add3A_10] : memref<320000xi32, #tpu.memory_space<hbm>> -> memref<128xi32, #tpu.memory_space<hbm>>
      %dma_wait3A_57 = tpu.memref_slice %arg3[%add3A_10] : memref<320000xi32, #tpu.memory_space<hbm>> -> memref<128xi32, #tpu.memory_space<hbm>>
      tpu.wait_dma2 semaphore(%run_scoped3A : memref<!tpu.dma_semaphore, #tpu.memory_space<semaphore_mem>>) src(%dma_wait3A_57 : memref<128xi32, #tpu.memory_space<hbm>>) dst(%arg8 : memref<128xi32, #tpu.memory_space<vmem>>)
      tpu.yield
    }) : () -> ()
    "tpu.region"() ({
      %run_scoped3A = tpu.sem_alloc : memref<!tpu.dma_semaphore, #tpu.memory_space<semaphore_mem>>
      %dma_start3A_54 = tpu.memref_slice %arg4[%add3A_10] : memref<320000xi32, #tpu.memory_space<hbm>> -> memref<128xi32, #tpu.memory_space<hbm>>
      %dma_start3A_55 = tpu.memref_slice %arg4[%add3A_10] : memref<320000xi32, #tpu.memory_space<hbm>> -> memref<128xi32, #tpu.memory_space<hbm>>
      tpu.enqueue_dma source(%dma_start3A_55 : memref<128xi32, #tpu.memory_space<hbm>>) target(%arg12 : memref<128xi32, #tpu.memory_space<vmem>>) target_semaphore(%run_scoped3A : memref<!tpu.dma_semaphore, #tpu.memory_space<semaphore_mem>>)
      %dma_wait3A_56 = tpu.memref_slice %arg4[%add3A_10] : memref<320000xi32, #tpu.memory_space<hbm>> -> memref<128xi32, #tpu.memory_space<hbm>>
      %dma_wait3A_57 = tpu.memref_slice %arg4[%add3A_10] : memref<320000xi32, #tpu.memory_space<hbm>> -> memref<128xi32, #tpu.memory_space<hbm>>
      tpu.wait_dma2 semaphore(%run_scoped3A : memref<!tpu.dma_semaphore, #tpu.memory_space<semaphore_mem>>) src(%dma_wait3A_57 : memref<128xi32, #tpu.memory_space<hbm>>) dst(%arg12 : memref<128xi32, #tpu.memory_space<vmem>>)
      tpu.yield
    }) : () -> ()
    %dma_start3A_11 = arith.constant 0 : i32
    %dma_start3A_12 = arith.constant 0 : i32
    %dma_start3A_13 = tpu.memref_slice %arg2[%dma_start3A_11, %dma_start3A_12] : memref<10000x128xf32, #tpu.memory_space<hbm>> -> memref<10000x128xf32, #tpu.memory_space<hbm>>
    tpu.enqueue_indirect_dma source(%dma_start3A_13 : memref<10000x128xf32, #tpu.memory_space<hbm>>) target(%arg16 : memref<128x128xf32, #tpu.memory_space<vmem>>) offsets(%arg8 : memref<128xi32, #tpu.memory_space<vmem>>) semaphore(%arg24 : memref<!tpu.dma_semaphore, #tpu.memory_space<semaphore_mem>>)
    %scan3A = arith.constant 0 : i32
    %scan3A_14 = arith.constant 19 : i32
    %scan3A_15 = arith.addi %scan3A, %scan3A_14 : i32
    %scan3A_16 = arith.constant 1 : i32
    scf.for %scan3A_54 = %scan3A to %scan3A_15 step %scan3A_16  : i32 {
      %mul3A_55 = arith.constant 4 : i32
      %mul3A_56 = arith.muli %scan3A_54, %mul3A_55 : i32
      %add3A_57 = arith.constant 0 : i32
      %add3A_58 = arith.addi %add3A_57, %mul3A_56 : i32
      %add3A_59 = arith.constant 0 : i32
      %add3A_60 = arith.addi %add3A_58, %add3A_59 : i32
      %dma_wait3A_61 = arith.constant 0 : i32
      %dma_wait3A_62 = arith.constant 0 : i32
      %dma_wait3A_63 = tpu.memref_slice %arg2[%dma_wait3A_61, %dma_wait3A_62] : memref<10000x128xf32, #tpu.memory_space<hbm>> -> memref<10000x128xf32, #tpu.memory_space<hbm>>
      tpu.wait_indirect_dma semaphore(%arg23 : memref<!tpu.dma_semaphore, #tpu.memory_space<semaphore_mem>>) src(%dma_wait3A_63 : memref<10000x128xf32, #tpu.memory_space<hbm>>) dst(%arg15 : memref<128x128xf32, #tpu.memory_space<vmem>>)
      %dma_start3A_64 = arith.constant 0 : i32
      %dma_start3A_65 = arith.constant 0 : i32
      %dma_start3A_66 = tpu.memref_slice %arg22[%dma_start3A_64, %dma_start3A_65] : memref<5120x128xf32, #tpu.memory_space<vmem_shared>> -> memref<5120x128xf32, #tpu.memory_space<vmem_shared>>
      tpu.enqueue_indirect_dma source(%arg15 : memref<128x128xf32, #tpu.memory_space<vmem>>) target(%dma_start3A_66 : memref<5120x128xf32, #tpu.memory_space<vmem_shared>>) offsets(%arg11 : memref<128xi32, #tpu.memory_space<vmem>>) semaphore(%arg27 : memref<!tpu.dma_semaphore, #tpu.memory_space<semaphore_mem>>) {add = true}
      %ge3A = arith.constant 2 : i32
      %ge3A_67 = arith.cmpi sge, %add3A_60, %ge3A : i32
      %convert_element_type3A = arith.extui %ge3A_67 : i1 to i32
      %cond3A = arith.constant 0 : i32
      %cond3A_68 = arith.cmpi ne, %convert_element_type3A, %cond3A : i32
      scf.if %cond3A_68 {
        %dma_wait3A_135 = arith.constant 0 : i32
        %dma_wait3A_136 = arith.constant 0 : i32
        %dma_wait3A_137 = tpu.memref_slice %arg22[%dma_wait3A_135, %dma_wait3A_136] : memref<5120x128xf32, #tpu.memory_space<vmem_shared>> -> memref<5120x128xf32, #tpu.memory_space<vmem_shared>>
        tpu.wait_indirect_dma semaphore(%arg29 : memref<!tpu.dma_semaphore, #tpu.memory_space<semaphore_mem>>) src(%arg17 : memref<128x128xf32, #tpu.memory_space<vmem>>) dst(%dma_wait3A_137 : memref<5120x128xf32, #tpu.memory_space<vmem_shared>>)
      } else {
      }
      %add3A_69 = arith.constant 2 : i32
      %add3A_70 = arith.addi %add3A_60, %add3A_69 : i32
      %lt3A = arith.constant 78 : i32
      %lt3A_71 = arith.cmpi slt, %add3A_70, %lt3A : i32
      %convert_element_type3A_72 = arith.extui %lt3A_71 : i1 to i32
      %cond3A_73 = arith.constant 0 : i32
      %cond3A_74 = arith.cmpi ne, %convert_element_type3A_72, %cond3A_73 : i32
      scf.if %cond3A_74 {
        %add3A_135 = arith.constant 2 : i32
        %add3A_136 = arith.addi %add3A_60, %add3A_135 : i32
        %mul3A_137 = arith.constant 128 : i32
        %mul3A_138 = arith.muli %add3A_136, %mul3A_137 : i32
        %add3A_139 = arith.addi %mul3A_2, %mul3A_138 : i32
        "tpu.region"() ({
          %run_scoped3A = tpu.sem_alloc : memref<!tpu.dma_semaphore, #tpu.memory_space<semaphore_mem>>
          %dma_start3A_143 = tpu.memref_slice %arg3[%add3A_139] : memref<320000xi32, #tpu.memory_space<hbm>> -> memref<128xi32, #tpu.memory_space<hbm>>
          %dma_start3A_144 = tpu.memref_slice %arg3[%add3A_139] : memref<320000xi32, #tpu.memory_space<hbm>> -> memref<128xi32, #tpu.memory_space<hbm>>
          tpu.enqueue_dma source(%dma_start3A_144 : memref<128xi32, #tpu.memory_space<hbm>>) target(%arg9 : memref<128xi32, #tpu.memory_space<vmem>>) target_semaphore(%run_scoped3A : memref<!tpu.dma_semaphore, #tpu.memory_space<semaphore_mem>>)
          %dma_wait3A_145 = tpu.memref_slice %arg3[%add3A_139] : memref<320000xi32, #tpu.memory_space<hbm>> -> memref<128xi32, #tpu.memory_space<hbm>>
          %dma_wait3A_146 = tpu.memref_slice %arg3[%add3A_139] : memref<320000xi32, #tpu.memory_space<hbm>> -> memref<128xi32, #tpu.memory_space<hbm>>
          tpu.wait_dma2 semaphore(%run_scoped3A : memref<!tpu.dma_semaphore, #tpu.memory_space<semaphore_mem>>) src(%dma_wait3A_146 : memref<128xi32, #tpu.memory_space<hbm>>) dst(%arg9 : memref<128xi32, #tpu.memory_space<vmem>>)
          tpu.yield
        }) : () -> ()
        "tpu.region"() ({
          %run_scoped3A = tpu.sem_alloc : memref<!tpu.dma_semaphore, #tpu.memory_space<semaphore_mem>>
          %dma_start3A_143 = tpu.memref_slice %arg4[%add3A_139] : memref<320000xi32, #tpu.memory_space<hbm>> -> memref<128xi32, #tpu.memory_space<hbm>>
          %dma_start3A_144 = tpu.memref_slice %arg4[%add3A_139] : memref<320000xi32, #tpu.memory_space<hbm>> -> memref<128xi32, #tpu.memory_space<hbm>>
          tpu.enqueue_dma source(%dma_start3A_144 : memref<128xi32, #tpu.memory_space<hbm>>) target(%arg13 : memref<128xi32, #tpu.memory_space<vmem>>) target_semaphore(%run_scoped3A : memref<!tpu.dma_semaphore, #tpu.memory_space<semaphore_mem>>)
          %dma_wait3A_145 = tpu.memref_slice %arg4[%add3A_139] : memref<320000xi32, #tpu.memory_space<hbm>> -> memref<128xi32, #tpu.memory_space<hbm>>
          %dma_wait3A_146 = tpu.memref_slice %arg4[%add3A_139] : memref<320000xi32, #tpu.memory_space<hbm>> -> memref<128xi32, #tpu.memory_space<hbm>>
          tpu.wait_dma2 semaphore(%run_scoped3A : memref<!tpu.dma_semaphore, #tpu.memory_space<semaphore_mem>>) src(%dma_wait3A_146 : memref<128xi32, #tpu.memory_space<hbm>>) dst(%arg13 : memref<128xi32, #tpu.memory_space<vmem>>)
          tpu.yield
        }) : () -> ()
        %dma_start3A_140 = arith.constant 0 : i32
        %dma_start3A_141 = arith.constant 0 : i32
        %dma_start3A_142 = tpu.memref_slice %arg2[%dma_start3A_140, %dma_start3A_141] : memref<10000x128xf32, #tpu.memory_space<hbm>> -> memref<10000x128xf32, #tpu.memory_space<hbm>>
        tpu.enqueue_indirect_dma source(%dma_start3A_142 : memref<10000x128xf32, #tpu.memory_space<hbm>>) target(%arg17 : memref<128x128xf32, #tpu.memory_space<vmem>>) offsets(%arg9 : memref<128xi32, #tpu.memory_space<vmem>>) semaphore(%arg25 : memref<!tpu.dma_semaphore, #tpu.memory_space<semaphore_mem>>)
      } else {
      }
      %add3A_75 = arith.constant 1 : i32
      %add3A_76 = arith.addi %add3A_58, %add3A_75 : i32
      %dma_wait3A_77 = arith.constant 0 : i32
      %dma_wait3A_78 = arith.constant 0 : i32
      %dma_wait3A_79 = tpu.memref_slice %arg2[%dma_wait3A_77, %dma_wait3A_78] : memref<10000x128xf32, #tpu.memory_space<hbm>> -> memref<10000x128xf32, #tpu.memory_space<hbm>>
      tpu.wait_indirect_dma semaphore(%arg24 : memref<!tpu.dma_semaphore, #tpu.memory_space<semaphore_mem>>) src(%dma_wait3A_79 : memref<10000x128xf32, #tpu.memory_space<hbm>>) dst(%arg16 : memref<128x128xf32, #tpu.memory_space<vmem>>)
      %dma_start3A_80 = arith.constant 0 : i32
      %dma_start3A_81 = arith.constant 0 : i32
      %dma_start3A_82 = tpu.memref_slice %arg22[%dma_start3A_80, %dma_start3A_81] : memref<5120x128xf32, #tpu.memory_space<vmem_shared>> -> memref<5120x128xf32, #tpu.memory_space<vmem_shared>>
      tpu.enqueue_indirect_dma source(%arg16 : memref<128x128xf32, #tpu.memory_space<vmem>>) target(%dma_start3A_82 : memref<5120x128xf32, #tpu.memory_space<vmem_shared>>) offsets(%arg12 : memref<128xi32, #tpu.memory_space<vmem>>) semaphore(%arg28 : memref<!tpu.dma_semaphore, #tpu.memory_space<semaphore_mem>>) {add = true}
      %ge3A_83 = arith.constant 2 : i32
      %ge3A_84 = arith.cmpi sge, %add3A_76, %ge3A_83 : i32
      %convert_element_type3A_85 = arith.extui %ge3A_84 : i1 to i32
      %cond3A_86 = arith.constant 0 : i32
      %cond3A_87 = arith.cmpi ne, %convert_element_type3A_85, %cond3A_86 : i32
      scf.if %cond3A_87 {
        %dma_wait3A_135 = arith.constant 0 : i32
        %dma_wait3A_136 = arith.constant 0 : i32
        %dma_wait3A_137 = tpu.memref_slice %arg22[%dma_wait3A_135, %dma_wait3A_136] : memref<5120x128xf32, #tpu.memory_space<vmem_shared>> -> memref<5120x128xf32, #tpu.memory_space<vmem_shared>>
        tpu.wait_indirect_dma semaphore(%arg30 : memref<!tpu.dma_semaphore, #tpu.memory_space<semaphore_mem>>) src(%arg18 : memref<128x128xf32, #tpu.memory_space<vmem>>) dst(%dma_wait3A_137 : memref<5120x128xf32, #tpu.memory_space<vmem_shared>>)
      } else {
      }
      %add3A_88 = arith.constant 2 : i32
      %add3A_89 = arith.addi %add3A_76, %add3A_88 : i32
      %lt3A_90 = arith.constant 78 : i32
      %lt3A_91 = arith.cmpi slt, %add3A_89, %lt3A_90 : i32
      %convert_element_type3A_92 = arith.extui %lt3A_91 : i1 to i32
      %cond3A_93 = arith.constant 0 : i32
      %cond3A_94 = arith.cmpi ne, %convert_element_type3A_92, %cond3A_93 : i32
      scf.if %cond3A_94 {
        %add3A_135 = arith.constant 2 : i32
        %add3A_136 = arith.addi %add3A_76, %add3A_135 : i32
        %mul3A_137 = arith.constant 128 : i32
        %mul3A_138 = arith.muli %add3A_136, %mul3A_137 : i32
        %add3A_139 = arith.addi %mul3A_2, %mul3A_138 : i32
        "tpu.region"() ({
          %run_scoped3A = tpu.sem_alloc : memref<!tpu.dma_semaphore, #tpu.memory_space<semaphore_mem>>
          %dma_start3A_143 = tpu.memref_slice %arg3[%add3A_139] : memref<320000xi32, #tpu.memory_space<hbm>> -> memref<128xi32, #tpu.memory_space<hbm>>
          %dma_start3A_144 = tpu.memref_slice %arg3[%add3A_139] : memref<320000xi32, #tpu.memory_space<hbm>> -> memref<128xi32, #tpu.memory_space<hbm>>
          tpu.enqueue_dma source(%dma_start3A_144 : memref<128xi32, #tpu.memory_space<hbm>>) target(%arg10 : memref<128xi32, #tpu.memory_space<vmem>>) target_semaphore(%run_scoped3A : memref<!tpu.dma_semaphore, #tpu.memory_space<semaphore_mem>>)
          %dma_wait3A_145 = tpu.memref_slice %arg3[%add3A_139] : memref<320000xi32, #tpu.memory_space<hbm>> -> memref<128xi32, #tpu.memory_space<hbm>>
          %dma_wait3A_146 = tpu.memref_slice %arg3[%add3A_139] : memref<320000xi32, #tpu.memory_space<hbm>> -> memref<128xi32, #tpu.memory_space<hbm>>
          tpu.wait_dma2 semaphore(%run_scoped3A : memref<!tpu.dma_semaphore, #tpu.memory_space<semaphore_mem>>) src(%dma_wait3A_146 : memref<128xi32, #tpu.memory_space<hbm>>) dst(%arg10 : memref<128xi32, #tpu.memory_space<vmem>>)
          tpu.yield
        }) : () -> ()
        "tpu.region"() ({
          %run_scoped3A = tpu.sem_alloc : memref<!tpu.dma_semaphore, #tpu.memory_space<semaphore_mem>>
          %dma_start3A_143 = tpu.memref_slice %arg4[%add3A_139] : memref<320000xi32, #tpu.memory_space<hbm>> -> memref<128xi32, #tpu.memory_space<hbm>>
          %dma_start3A_144 = tpu.memref_slice %arg4[%add3A_139] : memref<320000xi32, #tpu.memory_space<hbm>> -> memref<128xi32, #tpu.memory_space<hbm>>
          tpu.enqueue_dma source(%dma_start3A_144 : memref<128xi32, #tpu.memory_space<hbm>>) target(%arg14 : memref<128xi32, #tpu.memory_space<vmem>>) target_semaphore(%run_scoped3A : memref<!tpu.dma_semaphore, #tpu.memory_space<semaphore_mem>>)
          %dma_wait3A_145 = tpu.memref_slice %arg4[%add3A_139] : memref<320000xi32, #tpu.memory_space<hbm>> -> memref<128xi32, #tpu.memory_space<hbm>>
          %dma_wait3A_146 = tpu.memref_slice %arg4[%add3A_139] : memref<320000xi32, #tpu.memory_space<hbm>> -> memref<128xi32, #tpu.memory_space<hbm>>
          tpu.wait_dma2 semaphore(%run_scoped3A : memref<!tpu.dma_semaphore, #tpu.memory_space<semaphore_mem>>) src(%dma_wait3A_146 : memref<128xi32, #tpu.memory_space<hbm>>) dst(%arg14 : memref<128xi32, #tpu.memory_space<vmem>>)
          tpu.yield
        }) : () -> ()
        %dma_start3A_140 = arith.constant 0 : i32
        %dma_start3A_141 = arith.constant 0 : i32
        %dma_start3A_142 = tpu.memref_slice %arg2[%dma_start3A_140, %dma_start3A_141] : memref<10000x128xf32, #tpu.memory_space<hbm>> -> memref<10000x128xf32, #tpu.memory_space<hbm>>
        tpu.enqueue_indirect_dma source(%dma_start3A_142 : memref<10000x128xf32, #tpu.memory_space<hbm>>) target(%arg18 : memref<128x128xf32, #tpu.memory_space<vmem>>) offsets(%arg10 : memref<128xi32, #tpu.memory_space<vmem>>) semaphore(%arg26 : memref<!tpu.dma_semaphore, #tpu.memory_space<semaphore_mem>>)
      } else {
      }
      %add3A_95 = arith.constant 2 : i32
      %add3A_96 = arith.addi %add3A_58, %add3A_95 : i32
      %dma_wait3A_97 = arith.constant 0 : i32
      %dma_wait3A_98 = arith.constant 0 : i32
      %dma_wait3A_99 = tpu.memref_slice %arg2[%dma_wait3A_97, %dma_wait3A_98] : memref<10000x128xf32, #tpu.memory_space<hbm>> -> memref<10000x128xf32, #tpu.memory_space<hbm>>
      tpu.wait_indirect_dma semaphore(%arg25 : memref<!tpu.dma_semaphore, #tpu.memory_space<semaphore_mem>>) src(%dma_wait3A_99 : memref<10000x128xf32, #tpu.memory_space<hbm>>) dst(%arg17 : memref<128x128xf32, #tpu.memory_space<vmem>>)
      %dma_start3A_100 = arith.constant 0 : i32
      %dma_start3A_101 = arith.constant 0 : i32
      %dma_start3A_102 = tpu.memref_slice %arg22[%dma_start3A_100, %dma_start3A_101] : memref<5120x128xf32, #tpu.memory_space<vmem_shared>> -> memref<5120x128xf32, #tpu.memory_space<vmem_shared>>
      tpu.enqueue_indirect_dma source(%arg17 : memref<128x128xf32, #tpu.memory_space<vmem>>) target(%dma_start3A_102 : memref<5120x128xf32, #tpu.memory_space<vmem_shared>>) offsets(%arg13 : memref<128xi32, #tpu.memory_space<vmem>>) semaphore(%arg29 : memref<!tpu.dma_semaphore, #tpu.memory_space<semaphore_mem>>) {add = true}
      %ge3A_103 = arith.constant 2 : i32
      %ge3A_104 = arith.cmpi sge, %add3A_96, %ge3A_103 : i32
      %convert_element_type3A_105 = arith.extui %ge3A_104 : i1 to i32
      %cond3A_106 = arith.constant 0 : i32
      %cond3A_107 = arith.cmpi ne, %convert_element_type3A_105, %cond3A_106 : i32
      scf.if %cond3A_107 {
        %dma_wait3A_135 = arith.constant 0 : i32
        %dma_wait3A_136 = arith.constant 0 : i32
        %dma_wait3A_137 = tpu.memref_slice %arg22[%dma_wait3A_135, %dma_wait3A_136] : memref<5120x128xf32, #tpu.memory_space<vmem_shared>> -> memref<5120x128xf32, #tpu.memory_space<vmem_shared>>
        tpu.wait_indirect_dma semaphore(%arg27 : memref<!tpu.dma_semaphore, #tpu.memory_space<semaphore_mem>>) src(%arg15 : memref<128x128xf32, #tpu.memory_space<vmem>>) dst(%dma_wait3A_137 : memref<5120x128xf32, #tpu.memory_space<vmem_shared>>)
      } else {
      }
      %add3A_108 = arith.constant 2 : i32
      %add3A_109 = arith.addi %add3A_96, %add3A_108 : i32
      %lt3A_110 = arith.constant 78 : i32
      %lt3A_111 = arith.cmpi slt, %add3A_109, %lt3A_110 : i32
      %convert_element_type3A_112 = arith.extui %lt3A_111 : i1 to i32
      %cond3A_113 = arith.constant 0 : i32
      %cond3A_114 = arith.cmpi ne, %convert_element_type3A_112, %cond3A_113 : i32
      scf.if %cond3A_114 {
        %add3A_135 = arith.constant 2 : i32
        %add3A_136 = arith.addi %add3A_96, %add3A_135 : i32
        %mul3A_137 = arith.constant 128 : i32
        %mul3A_138 = arith.muli %add3A_136, %mul3A_137 : i32
        %add3A_139 = arith.addi %mul3A_2, %mul3A_138 : i32
        "tpu.region"() ({
          %run_scoped3A = tpu.sem_alloc : memref<!tpu.dma_semaphore, #tpu.memory_space<semaphore_mem>>
          %dma_start3A_143 = tpu.memref_slice %arg3[%add3A_139] : memref<320000xi32, #tpu.memory_space<hbm>> -> memref<128xi32, #tpu.memory_space<hbm>>
          %dma_start3A_144 = tpu.memref_slice %arg3[%add3A_139] : memref<320000xi32, #tpu.memory_space<hbm>> -> memref<128xi32, #tpu.memory_space<hbm>>
          tpu.enqueue_dma source(%dma_start3A_144 : memref<128xi32, #tpu.memory_space<hbm>>) target(%arg7 : memref<128xi32, #tpu.memory_space<vmem>>) target_semaphore(%run_scoped3A : memref<!tpu.dma_semaphore, #tpu.memory_space<semaphore_mem>>)
          %dma_wait3A_145 = tpu.memref_slice %arg3[%add3A_139] : memref<320000xi32, #tpu.memory_space<hbm>> -> memref<128xi32, #tpu.memory_space<hbm>>
          %dma_wait3A_146 = tpu.memref_slice %arg3[%add3A_139] : memref<320000xi32, #tpu.memory_space<hbm>> -> memref<128xi32, #tpu.memory_space<hbm>>
          tpu.wait_dma2 semaphore(%run_scoped3A : memref<!tpu.dma_semaphore, #tpu.memory_space<semaphore_mem>>) src(%dma_wait3A_146 : memref<128xi32, #tpu.memory_space<hbm>>) dst(%arg7 : memref<128xi32, #tpu.memory_space<vmem>>)
          tpu.yield
        }) : () -> ()
        "tpu.region"() ({
          %run_scoped3A = tpu.sem_alloc : memref<!tpu.dma_semaphore, #tpu.memory_space<semaphore_mem>>
          %dma_start3A_143 = tpu.memref_slice %arg4[%add3A_139] : memref<320000xi32, #tpu.memory_space<hbm>> -> memref<128xi32, #tpu.memory_space<hbm>>
          %dma_start3A_144 = tpu.memref_slice %arg4[%add3A_139] : memref<320000xi32, #tpu.memory_space<hbm>> -> memref<128xi32, #tpu.memory_space<hbm>>
          tpu.enqueue_dma source(%dma_start3A_144 : memref<128xi32, #tpu.memory_space<hbm>>) target(%arg11 : memref<128xi32, #tpu.memory_space<vmem>>) target_semaphore(%run_scoped3A : memref<!tpu.dma_semaphore, #tpu.memory_space<semaphore_mem>>)
          %dma_wait3A_145 = tpu.memref_slice %arg4[%add3A_139] : memref<320000xi32, #tpu.memory_space<hbm>> -> memref<128xi32, #tpu.memory_space<hbm>>
          %dma_wait3A_146 = tpu.memref_slice %arg4[%add3A_139] : memref<320000xi32, #tpu.memory_space<hbm>> -> memref<128xi32, #tpu.memory_space<hbm>>
          tpu.wait_dma2 semaphore(%run_scoped3A : memref<!tpu.dma_semaphore, #tpu.memory_space<semaphore_mem>>) src(%dma_wait3A_146 : memref<128xi32, #tpu.memory_space<hbm>>) dst(%arg11 : memref<128xi32, #tpu.memory_space<vmem>>)
          tpu.yield
        }) : () -> ()
        %dma_start3A_140 = arith.constant 0 : i32
        %dma_start3A_141 = arith.constant 0 : i32
        %dma_start3A_142 = tpu.memref_slice %arg2[%dma_start3A_140, %dma_start3A_141] : memref<10000x128xf32, #tpu.memory_space<hbm>> -> memref<10000x128xf32, #tpu.memory_space<hbm>>
        tpu.enqueue_indirect_dma source(%dma_start3A_142 : memref<10000x128xf32, #tpu.memory_space<hbm>>) target(%arg15 : memref<128x128xf32, #tpu.memory_space<vmem>>) offsets(%arg7 : memref<128xi32, #tpu.memory_space<vmem>>) semaphore(%arg23 : memref<!tpu.dma_semaphore, #tpu.memory_space<semaphore_mem>>)
      } else {
      }
      %add3A_115 = arith.constant 3 : i32
      %add3A_116 = arith.addi %add3A_58, %add3A_115 : i32
      %dma_wait3A_117 = arith.constant 0 : i32
      %dma_wait3A_118 = arith.constant 0 : i32
      %dma_wait3A_119 = tpu.memref_slice %arg2[%dma_wait3A_117, %dma_wait3A_118] : memref<10000x128xf32, #tpu.memory_space<hbm>> -> memref<10000x128xf32, #tpu.memory_space<hbm>>
      tpu.wait_indirect_dma semaphore(%arg26 : memref<!tpu.dma_semaphore, #tpu.memory_space<semaphore_mem>>) src(%dma_wait3A_119 : memref<10000x128xf32, #tpu.memory_space<hbm>>) dst(%arg18 : memref<128x128xf32, #tpu.memory_space<vmem>>)
      %dma_start3A_120 = arith.constant 0 : i32
      %dma_start3A_121 = arith.constant 0 : i32
      %dma_start3A_122 = tpu.memref_slice %arg22[%dma_start3A_120, %dma_start3A_121] : memref<5120x128xf32, #tpu.memory_space<vmem_shared>> -> memref<5120x128xf32, #tpu.memory_space<vmem_shared>>
      tpu.enqueue_indirect_dma source(%arg18 : memref<128x128xf32, #tpu.memory_space<vmem>>) target(%dma_start3A_122 : memref<5120x128xf32, #tpu.memory_space<vmem_shared>>) offsets(%arg14 : memref<128xi32, #tpu.memory_space<vmem>>) semaphore(%arg30 : memref<!tpu.dma_semaphore, #tpu.memory_space<semaphore_mem>>) {add = true}
      %ge3A_123 = arith.constant 2 : i32
      %ge3A_124 = arith.cmpi sge, %add3A_116, %ge3A_123 : i32
      %convert_element_type3A_125 = arith.extui %ge3A_124 : i1 to i32
      %cond3A_126 = arith.constant 0 : i32
      %cond3A_127 = arith.cmpi ne, %convert_element_type3A_125, %cond3A_126 : i32
      scf.if %cond3A_127 {
        %dma_wait3A_135 = arith.constant 0 : i32
        %dma_wait3A_136 = arith.constant 0 : i32
        %dma_wait3A_137 = tpu.memref_slice %arg22[%dma_wait3A_135, %dma_wait3A_136] : memref<5120x128xf32, #tpu.memory_space<vmem_shared>> -> memref<5120x128xf32, #tpu.memory_space<vmem_shared>>
        tpu.wait_indirect_dma semaphore(%arg28 : memref<!tpu.dma_semaphore, #tpu.memory_space<semaphore_mem>>) src(%arg16 : memref<128x128xf32, #tpu.memory_space<vmem>>) dst(%dma_wait3A_137 : memref<5120x128xf32, #tpu.memory_space<vmem_shared>>)
      } else {
      }
      %add3A_128 = arith.constant 2 : i32
      %add3A_129 = arith.addi %add3A_116, %add3A_128 : i32
      %lt3A_130 = arith.constant 78 : i32
      %lt3A_131 = arith.cmpi slt, %add3A_129, %lt3A_130 : i32
      %convert_element_type3A_132 = arith.extui %lt3A_131 : i1 to i32
      %cond3A_133 = arith.constant 0 : i32
      %cond3A_134 = arith.cmpi ne, %convert_element_type3A_132, %cond3A_133 : i32
      scf.if %cond3A_134 {
        %add3A_135 = arith.constant 2 : i32
        %add3A_136 = arith.addi %add3A_116, %add3A_135 : i32
        %mul3A_137 = arith.constant 128 : i32
        %mul3A_138 = arith.muli %add3A_136, %mul3A_137 : i32
        %add3A_139 = arith.addi %mul3A_2, %mul3A_138 : i32
        "tpu.region"() ({
          %run_scoped3A = tpu.sem_alloc : memref<!tpu.dma_semaphore, #tpu.memory_space<semaphore_mem>>
          %dma_start3A_143 = tpu.memref_slice %arg3[%add3A_139] : memref<320000xi32, #tpu.memory_space<hbm>> -> memref<128xi32, #tpu.memory_space<hbm>>
          %dma_start3A_144 = tpu.memref_slice %arg3[%add3A_139] : memref<320000xi32, #tpu.memory_space<hbm>> -> memref<128xi32, #tpu.memory_space<hbm>>
          tpu.enqueue_dma source(%dma_start3A_144 : memref<128xi32, #tpu.memory_space<hbm>>) target(%arg8 : memref<128xi32, #tpu.memory_space<vmem>>) target_semaphore(%run_scoped3A : memref<!tpu.dma_semaphore, #tpu.memory_space<semaphore_mem>>)
          %dma_wait3A_145 = tpu.memref_slice %arg3[%add3A_139] : memref<320000xi32, #tpu.memory_space<hbm>> -> memref<128xi32, #tpu.memory_space<hbm>>
          %dma_wait3A_146 = tpu.memref_slice %arg3[%add3A_139] : memref<320000xi32, #tpu.memory_space<hbm>> -> memref<128xi32, #tpu.memory_space<hbm>>
          tpu.wait_dma2 semaphore(%run_scoped3A : memref<!tpu.dma_semaphore, #tpu.memory_space<semaphore_mem>>) src(%dma_wait3A_146 : memref<128xi32, #tpu.memory_space<hbm>>) dst(%arg8 : memref<128xi32, #tpu.memory_space<vmem>>)
          tpu.yield
        }) : () -> ()
        "tpu.region"() ({
          %run_scoped3A = tpu.sem_alloc : memref<!tpu.dma_semaphore, #tpu.memory_space<semaphore_mem>>
          %dma_start3A_143 = tpu.memref_slice %arg4[%add3A_139] : memref<320000xi32, #tpu.memory_space<hbm>> -> memref<128xi32, #tpu.memory_space<hbm>>
          %dma_start3A_144 = tpu.memref_slice %arg4[%add3A_139] : memref<320000xi32, #tpu.memory_space<hbm>> -> memref<128xi32, #tpu.memory_space<hbm>>
          tpu.enqueue_dma source(%dma_start3A_144 : memref<128xi32, #tpu.memory_space<hbm>>) target(%arg12 : memref<128xi32, #tpu.memory_space<vmem>>) target_semaphore(%run_scoped3A : memref<!tpu.dma_semaphore, #tpu.memory_space<semaphore_mem>>)
          %dma_wait3A_145 = tpu.memref_slice %arg4[%add3A_139] : memref<320000xi32, #tpu.memory_space<hbm>> -> memref<128xi32, #tpu.memory_space<hbm>>
          %dma_wait3A_146 = tpu.memref_slice %arg4[%add3A_139] : memref<320000xi32, #tpu.memory_space<hbm>> -> memref<128xi32, #tpu.memory_space<hbm>>
          tpu.wait_dma2 semaphore(%run_scoped3A : memref<!tpu.dma_semaphore, #tpu.memory_space<semaphore_mem>>) src(%dma_wait3A_146 : memref<128xi32, #tpu.memory_space<hbm>>) dst(%arg12 : memref<128xi32, #tpu.memory_space<vmem>>)
          tpu.yield
        }) : () -> ()
        %dma_start3A_140 = arith.constant 0 : i32
        %dma_start3A_141 = arith.constant 0 : i32
        %dma_start3A_142 = tpu.memref_slice %arg2[%dma_start3A_140, %dma_start3A_141] : memref<10000x128xf32, #tpu.memory_space<hbm>> -> memref<10000x128xf32, #tpu.memory_space<hbm>>
        tpu.enqueue_indirect_dma source(%dma_start3A_142 : memref<10000x128xf32, #tpu.memory_space<hbm>>) target(%arg16 : memref<128x128xf32, #tpu.memory_space<vmem>>) offsets(%arg8 : memref<128xi32, #tpu.memory_space<vmem>>) semaphore(%arg24 : memref<!tpu.dma_semaphore, #tpu.memory_space<semaphore_mem>>)
      } else {
      }
    }
    %scan3A_17 = arith.constant 19 : i32
    %dma_wait3A = arith.constant 0 : i32
    %dma_wait3A_18 = arith.constant 0 : i32
    %dma_wait3A_19 = tpu.memref_slice %arg2[%dma_wait3A, %dma_wait3A_18] : memref<10000x128xf32, #tpu.memory_space<hbm>> -> memref<10000x128xf32, #tpu.memory_space<hbm>>
    tpu.wait_indirect_dma semaphore(%arg23 : memref<!tpu.dma_semaphore, #tpu.memory_space<semaphore_mem>>) src(%dma_wait3A_19 : memref<10000x128xf32, #tpu.memory_space<hbm>>) dst(%arg15 : memref<128x128xf32, #tpu.memory_space<vmem>>)
    %dma_start3A_20 = arith.constant 0 : i32
    %dma_start3A_21 = arith.constant 0 : i32
    %dma_start3A_22 = tpu.memref_slice %arg22[%dma_start3A_20, %dma_start3A_21] : memref<5120x128xf32, #tpu.memory_space<vmem_shared>> -> memref<5120x128xf32, #tpu.memory_space<vmem_shared>>
    tpu.enqueue_indirect_dma source(%arg15 : memref<128x128xf32, #tpu.memory_space<vmem>>) target(%dma_start3A_22 : memref<5120x128xf32, #tpu.memory_space<vmem_shared>>) offsets(%arg11 : memref<128xi32, #tpu.memory_space<vmem>>) semaphore(%arg27 : memref<!tpu.dma_semaphore, #tpu.memory_space<semaphore_mem>>) {add = true}
    %dma_wait3A_23 = arith.constant 0 : i32
    %dma_wait3A_24 = arith.constant 0 : i32
    %dma_wait3A_25 = tpu.memref_slice %arg22[%dma_wait3A_23, %dma_wait3A_24] : memref<5120x128xf32, #tpu.memory_space<vmem_shared>> -> memref<5120x128xf32, #tpu.memory_space<vmem_shared>>
    tpu.wait_indirect_dma semaphore(%arg29 : memref<!tpu.dma_semaphore, #tpu.memory_space<semaphore_mem>>) src(%arg17 : memref<128x128xf32, #tpu.memory_space<vmem>>) dst(%dma_wait3A_25 : memref<5120x128xf32, #tpu.memory_space<vmem_shared>>)
    %dma_wait3A_26 = arith.constant 0 : i32
    %dma_wait3A_27 = arith.constant 0 : i32
    %dma_wait3A_28 = tpu.memref_slice %arg2[%dma_wait3A_26, %dma_wait3A_27] : memref<10000x128xf32, #tpu.memory_space<hbm>> -> memref<10000x128xf32, #tpu.memory_space<hbm>>
    tpu.wait_indirect_dma semaphore(%arg24 : memref<!tpu.dma_semaphore, #tpu.memory_space<semaphore_mem>>) src(%dma_wait3A_28 : memref<10000x128xf32, #tpu.memory_space<hbm>>) dst(%arg16 : memref<128x128xf32, #tpu.memory_space<vmem>>)
    %dma_start3A_29 = arith.constant 0 : i32
    %dma_start3A_30 = arith.constant 0 : i32
    %dma_start3A_31 = tpu.memref_slice %arg22[%dma_start3A_29, %dma_start3A_30] : memref<5120x128xf32, #tpu.memory_space<vmem_shared>> -> memref<5120x128xf32, #tpu.memory_space<vmem_shared>>
    tpu.enqueue_indirect_dma source(%arg16 : memref<128x128xf32, #tpu.memory_space<vmem>>) target(%dma_start3A_31 : memref<5120x128xf32, #tpu.memory_space<vmem_shared>>) offsets(%arg12 : memref<128xi32, #tpu.memory_space<vmem>>) semaphore(%arg28 : memref<!tpu.dma_semaphore, #tpu.memory_space<semaphore_mem>>) {add = true}
    %dma_wait3A_32 = arith.constant 0 : i32
    %dma_wait3A_33 = arith.constant 0 : i32
    %dma_wait3A_34 = tpu.memref_slice %arg22[%dma_wait3A_32, %dma_wait3A_33] : memref<5120x128xf32, #tpu.memory_space<vmem_shared>> -> memref<5120x128xf32, #tpu.memory_space<vmem_shared>>
    tpu.wait_indirect_dma semaphore(%arg30 : memref<!tpu.dma_semaphore, #tpu.memory_space<semaphore_mem>>) src(%arg18 : memref<128x128xf32, #tpu.memory_space<vmem>>) dst(%dma_wait3A_34 : memref<5120x128xf32, #tpu.memory_space<vmem_shared>>)
    %dma_wait3A_35 = arith.constant 0 : i32
    %dma_wait3A_36 = arith.constant 0 : i32
    %dma_wait3A_37 = tpu.memref_slice %arg22[%dma_wait3A_35, %dma_wait3A_36] : memref<5120x128xf32, #tpu.memory_space<vmem_shared>> -> memref<5120x128xf32, #tpu.memory_space<vmem_shared>>
    tpu.wait_indirect_dma semaphore(%arg27 : memref<!tpu.dma_semaphore, #tpu.memory_space<semaphore_mem>>) src(%arg15 : memref<128x128xf32, #tpu.memory_space<vmem>>) dst(%dma_wait3A_37 : memref<5120x128xf32, #tpu.memory_space<vmem_shared>>)
    %dma_wait3A_38 = arith.constant 0 : i32
    %dma_wait3A_39 = arith.constant 0 : i32
    %dma_wait3A_40 = tpu.memref_slice %arg22[%dma_wait3A_38, %dma_wait3A_39] : memref<5120x128xf32, #tpu.memory_space<vmem_shared>> -> memref<5120x128xf32, #tpu.memory_space<vmem_shared>>
    tpu.wait_indirect_dma semaphore(%arg28 : memref<!tpu.dma_semaphore, #tpu.memory_space<semaphore_mem>>) src(%arg16 : memref<128x128xf32, #tpu.memory_space<vmem>>) dst(%dma_wait3A_40 : memref<5120x128xf32, #tpu.memory_space<vmem_shared>>)
    %add3A_41 = arith.constant 9984 : i32
    %add3A_42 = arith.addi %mul3A_2, %add3A_41 : i32
    "tpu.region"() ({
      %run_scoped3A = tpu.sem_alloc : memref<!tpu.dma_semaphore, #tpu.memory_space<semaphore_mem>>
      %dma_start3A_54 = tpu.memref_slice %arg3[%add3A_42] : memref<320000xi32, #tpu.memory_space<hbm>> -> memref<16xi32, #tpu.memory_space<hbm>>
      %dma_start3A_55 = tpu.memref_slice %arg3[%add3A_42] : memref<320000xi32, #tpu.memory_space<hbm>> -> memref<16xi32, #tpu.memory_space<hbm>>
      tpu.enqueue_dma source(%dma_start3A_55 : memref<16xi32, #tpu.memory_space<hbm>>) target(%arg19 : memref<16xi32, #tpu.memory_space<vmem>>) target_semaphore(%run_scoped3A : memref<!tpu.dma_semaphore, #tpu.memory_space<semaphore_mem>>)
      %dma_wait3A_56 = tpu.memref_slice %arg3[%add3A_42] : memref<320000xi32, #tpu.memory_space<hbm>> -> memref<16xi32, #tpu.memory_space<hbm>>
      %dma_wait3A_57 = tpu.memref_slice %arg3[%add3A_42] : memref<320000xi32, #tpu.memory_space<hbm>> -> memref<16xi32, #tpu.memory_space<hbm>>
      tpu.wait_dma2 semaphore(%run_scoped3A : memref<!tpu.dma_semaphore, #tpu.memory_space<semaphore_mem>>) src(%dma_wait3A_57 : memref<16xi32, #tpu.memory_space<hbm>>) dst(%arg19 : memref<16xi32, #tpu.memory_space<vmem>>)
      tpu.yield
    }) : () -> ()
    "tpu.region"() ({
      %run_scoped3A = tpu.sem_alloc : memref<!tpu.dma_semaphore, #tpu.memory_space<semaphore_mem>>
      %dma_start3A_54 = tpu.memref_slice %arg4[%add3A_42] : memref<320000xi32, #tpu.memory_space<hbm>> -> memref<16xi32, #tpu.memory_space<hbm>>
      %dma_start3A_55 = tpu.memref_slice %arg4[%add3A_42] : memref<320000xi32, #tpu.memory_space<hbm>> -> memref<16xi32, #tpu.memory_space<hbm>>
      tpu.enqueue_dma source(%dma_start3A_55 : memref<16xi32, #tpu.memory_space<hbm>>) target(%arg20 : memref<16xi32, #tpu.memory_space<vmem>>) target_semaphore(%run_scoped3A : memref<!tpu.dma_semaphore, #tpu.memory_space<semaphore_mem>>)
      %dma_wait3A_56 = tpu.memref_slice %arg4[%add3A_42] : memref<320000xi32, #tpu.memory_space<hbm>> -> memref<16xi32, #tpu.memory_space<hbm>>
      %dma_wait3A_57 = tpu.memref_slice %arg4[%add3A_42] : memref<320000xi32, #tpu.memory_space<hbm>> -> memref<16xi32, #tpu.memory_space<hbm>>
      tpu.wait_dma2 semaphore(%run_scoped3A : memref<!tpu.dma_semaphore, #tpu.memory_space<semaphore_mem>>) src(%dma_wait3A_57 : memref<16xi32, #tpu.memory_space<hbm>>) dst(%arg20 : memref<16xi32, #tpu.memory_space<vmem>>)
      tpu.yield
    }) : () -> ()
    %dma_start3A_43 = arith.constant 0 : i32
    %dma_start3A_44 = arith.constant 0 : i32
    %dma_start3A_45 = tpu.memref_slice %arg2[%dma_start3A_43, %dma_start3A_44] : memref<10000x128xf32, #tpu.memory_space<hbm>> -> memref<10000x128xf32, #tpu.memory_space<hbm>>
    tpu.enqueue_indirect_dma source(%dma_start3A_45 : memref<10000x128xf32, #tpu.memory_space<hbm>>) target(%arg21 : memref<16x128xf32, #tpu.memory_space<vmem>>) offsets(%arg19 : memref<16xi32, #tpu.memory_space<vmem>>) semaphore(%arg23 : memref<!tpu.dma_semaphore, #tpu.memory_space<semaphore_mem>>)
    %dma_wait3A_46 = arith.constant 0 : i32
    %dma_wait3A_47 = arith.constant 0 : i32
    %dma_wait3A_48 = tpu.memref_slice %arg2[%dma_wait3A_46, %dma_wait3A_47] : memref<10000x128xf32, #tpu.memory_space<hbm>> -> memref<10000x128xf32, #tpu.memory_space<hbm>>
    tpu.wait_indirect_dma semaphore(%arg23 : memref<!tpu.dma_semaphore, #tpu.memory_space<semaphore_mem>>) src(%dma_wait3A_48 : memref<10000x128xf32, #tpu.memory_space<hbm>>) dst(%arg21 : memref<16x128xf32, #tpu.memory_space<vmem>>)
    "tpu.region"() ({
      %run_scoped3A = tpu.sem_alloc : memref<!tpu.dma_semaphore, #tpu.memory_space<semaphore_mem>>
      %dma_start3A_54 = arith.constant 0 : i32
      %dma_start3A_55 = arith.constant 0 : i32
      %dma_start3A_56 = tpu.memref_slice %arg22[%dma_start3A_54, %dma_start3A_55] : memref<5120x128xf32, #tpu.memory_space<vmem_shared>> -> memref<5120x128xf32, #tpu.memory_space<vmem_shared>>
      tpu.enqueue_indirect_dma source(%arg21 : memref<16x128xf32, #tpu.memory_space<vmem>>) target(%dma_start3A_56 : memref<5120x128xf32, #tpu.memory_space<vmem_shared>>) offsets(%arg20 : memref<16xi32, #tpu.memory_space<vmem>>) semaphore(%run_scoped3A : memref<!tpu.dma_semaphore, #tpu.memory_space<semaphore_mem>>) {add = true}
      %dma_wait3A_57 = arith.constant 0 : i32
      %dma_wait3A_58 = arith.constant 0 : i32
      %dma_wait3A_59 = tpu.memref_slice %arg22[%dma_wait3A_57, %dma_wait3A_58] : memref<5120x128xf32, #tpu.memory_space<vmem_shared>> -> memref<5120x128xf32, #tpu.memory_space<vmem_shared>>
      tpu.wait_indirect_dma semaphore(%run_scoped3A : memref<!tpu.dma_semaphore, #tpu.memory_space<semaphore_mem>>) src(%arg21 : memref<16x128xf32, #tpu.memory_space<vmem>>) dst(%dma_wait3A_59 : memref<5120x128xf32, #tpu.memory_space<vmem_shared>>)
      tpu.yield
    }) : () -> ()
    %barrier3A_49 = arith.constant 0 : index
    tpu.barrier barrier_id(%barrier3A_49)
    %mul3A_50 = arith.constant 320 : i32
    %mul3A_51 = arith.muli %arg1, %mul3A_50 : i32
    %mul3A_52 = arith.constant 320 : i32
    %mul3A_53 = arith.muli %arg1, %mul3A_52 : i32
    "tpu.region"() ({
      %run_scoped3A = tpu.sem_alloc : memref<!tpu.dma_semaphore, #tpu.memory_space<semaphore_mem>>
      %dma_start3A_54 = arith.constant 0 : i32
      %dma_start3A_55 = tpu.memref_slice %arg6[%arg0, %mul3A_53, %dma_start3A_54] : memref<2x5120x128xf32, #tpu.memory_space<hbm>> -> memref<1x320x128xf32, #tpu.memory_space<hbm>>
      %dma_start3A_56 = tpu.memref_squeeze %dma_start3A_55 : memref<1x320x128xf32, #tpu.memory_space<hbm>> -> memref<320x128xf32, #tpu.memory_space<hbm>>
      %dma_start3A_57 = arith.constant 0 : i32
      %dma_start3A_58 = tpu.memref_slice %arg22[%mul3A_51, %dma_start3A_57] : memref<5120x128xf32, #tpu.memory_space<vmem_shared>> -> memref<320x128xf32, #tpu.memory_space<vmem_shared>>
      tpu.enqueue_dma source(%dma_start3A_58 : memref<320x128xf32, #tpu.memory_space<vmem_shared>>) target(%dma_start3A_56 : memref<320x128xf32, #tpu.memory_space<hbm>>) target_semaphore(%run_scoped3A : memref<!tpu.dma_semaphore, #tpu.memory_space<semaphore_mem>>)
      %dma_wait3A_59 = arith.constant 0 : i32
      %dma_wait3A_60 = tpu.memref_slice %arg6[%arg0, %mul3A_53, %dma_wait3A_59] : memref<2x5120x128xf32, #tpu.memory_space<hbm>> -> memref<1x320x128xf32, #tpu.memory_space<hbm>>
      %dma_wait3A_61 = tpu.memref_squeeze %dma_wait3A_60 : memref<1x320x128xf32, #tpu.memory_space<hbm>> -> memref<320x128xf32, #tpu.memory_space<hbm>>
      %dma_wait3A_62 = arith.constant 0 : i32
      %dma_wait3A_63 = tpu.memref_slice %arg22[%mul3A_51, %dma_wait3A_62] : memref<5120x128xf32, #tpu.memory_space<vmem_shared>> -> memref<320x128xf32, #tpu.memory_space<vmem_shared>>
      tpu.wait_dma2 semaphore(%run_scoped3A : memref<!tpu.dma_semaphore, #tpu.memory_space<semaphore_mem>>) src(%dma_wait3A_63 : memref<320x128xf32, #tpu.memory_space<vmem_shared>>) dst(%dma_wait3A_61 : memref<320x128xf32, #tpu.memory_space<hbm>>)
      tpu.yield
    }) : () -> ()
    return
  }
}

module attributes {stable_mosaic.version = 14 : i64} {
  func.func @_tc_body(%arg0: i32, %arg1: memref<1000x128xf32, #tpu.memory_space<vmem>>, %arg2: memref<2x512x128xf32, #tpu.memory_space<vmem>>, %arg3: memref<128x256xf32, #tpu.memory_space<vmem>>, %arg4: memref<1x256xf32, #tpu.memory_space<vmem>>, %arg5: memref<128x256xf32, #tpu.memory_space<vmem>>, %arg6: memref<1x256xf32, #tpu.memory_space<vmem>>, %arg7: memref<1000x256xf32, #tpu.memory_space<vmem>>, %arg8: memref<512x256xf32, #tpu.memory_space<vmem>>) attributes {dimension_semantics = [#tpu.dimension_semantics<arbitrary>], iteration_bounds = array<i64: 10>, scalar_prefetch = 0 : i64, scratch_operands = 0 : i64, tpu.core_type = #tpu.core_type<tc>, window_params = [{transform_indices = @transform_0, window_bounds = array<i64: 1000, 128>}, {transform_indices = @transform_1, window_bounds = array<i64: 2, 512, 128>}, {pipeline_mode = #tpu.pipeline_mode<synchronous>, transform_indices = @transform_2, window_bounds = array<i64: 128, 256>}, {pipeline_mode = #tpu.pipeline_mode<synchronous>, transform_indices = @transform_3, window_bounds = array<i64: 1, 256>}, {pipeline_mode = #tpu.pipeline_mode<synchronous>, transform_indices = @transform_4, window_bounds = array<i64: 128, 256>}, {pipeline_mode = #tpu.pipeline_mode<synchronous>, transform_indices = @transform_5, window_bounds = array<i64: 1, 256>}, {transform_indices = @transform_6, window_bounds = array<i64: 1000, 256>}, {transform_indices = @transform_7, window_bounds = array<i64: 512, 256>}]} {
    %get3A = arith.constant 0 : index
    %get3A_0 = arith.constant 0 : index
    %get3A_1 = vector.load %arg1[%get3A, %get3A_0] : memref<1000x128xf32, #tpu.memory_space<vmem>>, vector<1000x128xf32>
    %get3A_2 = arith.constant 0 : index
    %get3A_3 = arith.constant 0 : index
    %get3A_4 = vector.load %arg3[%get3A_2, %get3A_3] : memref<128x256xf32, #tpu.memory_space<vmem>>, vector<128x256xf32>
    %dot_general3A = arith.constant dense<0.000000e+00> : vector<1000x256xf32>
    %dot_general3A_5 = tpu.matmul %get3A_1, %get3A_4, %dot_general3A {dimension_numbers = #tpu.dot_dimension_numbers<[1], [0], [0], [1], [0, 0, 1, 1], [], []>, transpose_lhs_hint = false} : vector<1000x128xf32>, vector<128x256xf32>, vector<1000x256xf32> -> vector<1000x256xf32>
    %get3A_6 = arith.constant 0 : index
    %get3A_7 = arith.constant 0 : index
    %get3A_8 = vector.load %arg4[%get3A_6, %get3A_7] : memref<1x256xf32, #tpu.memory_space<vmem>>, vector<1x256xf32>
    %add3A = vector.broadcast %get3A_8 : vector<1x256xf32> to vector<1000x256xf32>
    %add3A_9 = arith.addf %dot_general3A_5, %add3A : vector<1000x256xf32>
    %max3A = arith.constant 0.000000e+00 : f32
    %max3A_10 = vector.broadcast %max3A : f32 to vector<1000x256xf32>
    %max3A_11 = arith.maximumf %add3A_9, %max3A_10 : vector<1000x256xf32>
    %swap3A = arith.constant 0 : index
    %swap3A_12 = arith.constant 0 : index
    %swap3A_13 = vector.load %arg7[%swap3A, %swap3A_12] : memref<1000x256xf32, #tpu.memory_space<vmem>>, vector<1000x256xf32>
    tpu.vector_store %arg7[%swap3A, %swap3A_12], %max3A_11 {strides = array<i32>} : memref<1000x256xf32, #tpu.memory_space<vmem>>, vector<1000x256xf32>,
    %get3A_14 = arith.constant 0 : index
    %get3A_15 = arith.constant 0 : index
    %get3A_16 = arith.constant 0 : index
    %get3A_17 = vector.load %arg2[%get3A_14, %get3A_15, %get3A_16] : memref<2x512x128xf32, #tpu.memory_space<vmem>>, vector<1x512x128xf32>
    %get3A_18 = vector.shape_cast %get3A_17 : vector<1x512x128xf32> to vector<512x128xf32>
    %get3A_19 = arith.constant 1 : index
    %get3A_20 = arith.constant 0 : index
    %get3A_21 = arith.constant 0 : index
    %get3A_22 = vector.load %arg2[%get3A_19, %get3A_20, %get3A_21] : memref<2x512x128xf32, #tpu.memory_space<vmem>>, vector<1x512x128xf32>
    %get3A_23 = vector.shape_cast %get3A_22 : vector<1x512x128xf32> to vector<512x128xf32>
    %add3A_24 = arith.addf %get3A_18, %get3A_23 : vector<512x128xf32>
    %get3A_25 = arith.constant 0 : index
    %get3A_26 = arith.constant 0 : index
    %get3A_27 = vector.load %arg5[%get3A_25, %get3A_26] : memref<128x256xf32, #tpu.memory_space<vmem>>, vector<128x256xf32>
    %dot_general3A_28 = arith.constant dense<0.000000e+00> : vector<512x256xf32>
    %dot_general3A_29 = tpu.matmul %add3A_24, %get3A_27, %dot_general3A_28 {dimension_numbers = #tpu.dot_dimension_numbers<[1], [0], [0], [1], [0, 0, 1, 1], [], []>, transpose_lhs_hint = false} : vector<512x128xf32>, vector<128x256xf32>, vector<512x256xf32> -> vector<512x256xf32>
    %get3A_30 = arith.constant 0 : index
    %get3A_31 = arith.constant 0 : index
    %get3A_32 = vector.load %arg6[%get3A_30, %get3A_31] : memref<1x256xf32, #tpu.memory_space<vmem>>, vector<1x256xf32>
    %add3A_33 = vector.broadcast %get3A_32 : vector<1x256xf32> to vector<512x256xf32>
    %add3A_34 = arith.addf %dot_general3A_29, %add3A_33 : vector<512x256xf32>
    %max3A_35 = arith.constant 0.000000e+00 : f32
    %max3A_36 = vector.broadcast %max3A_35 : f32 to vector<512x256xf32>
    %max3A_37 = arith.maximumf %add3A_34, %max3A_36 : vector<512x256xf32>
    %swap3A_38 = arith.constant 0 : index
    %swap3A_39 = arith.constant 0 : index
    %swap3A_40 = vector.load %arg8[%swap3A_38, %swap3A_39] : memref<512x256xf32, #tpu.memory_space<vmem>>, vector<512x256xf32>
    tpu.vector_store %arg8[%swap3A_38, %swap3A_39], %max3A_37 {strides = array<i32>} : memref<512x256xf32, #tpu.memory_space<vmem>>, vector<512x256xf32>,
    return
  }
  func.func @transform_0(%arg0: i32) -> (i32, i32) {
    %c0_i32 = arith.constant 0 : i32
    %c0_i32_0 = arith.constant 0 : i32
    return %arg0, %c0_i32 : i32, i32
  }
  func.func @transform_1(%arg0: i32) -> (i32, i32, i32) {
    %c0_i32 = arith.constant 0 : i32
    %c0_i32_0 = arith.constant 0 : i32
    %c0_i32_1 = arith.constant 0 : i32
    return %c0_i32, %arg0, %c0_i32_0 : i32, i32, i32
  }
  func.func @transform_2(%arg0: i32) -> (i32, i32) {
    %c0_i32 = arith.constant 0 : i32
    %c0_i32_0 = arith.constant 0 : i32
    %c0_i32_1 = arith.constant 0 : i32
    return %c0_i32, %c0_i32_0 : i32, i32
  }
  func.func @transform_3(%arg0: i32) -> (i32, i32) {
    %c0_i32 = arith.constant 0 : i32
    %c0_i32_0 = arith.constant 0 : i32
    %c0_i32_1 = arith.constant 0 : i32
    return %c0_i32, %c0_i32_0 : i32, i32
  }
  func.func @transform_4(%arg0: i32) -> (i32, i32) {
    %c0_i32 = arith.constant 0 : i32
    %c0_i32_0 = arith.constant 0 : i32
    %c0_i32_1 = arith.constant 0 : i32
    return %c0_i32, %c0_i32_0 : i32, i32
  }
  func.func @transform_5(%arg0: i32) -> (i32, i32) {
    %c0_i32 = arith.constant 0 : i32
    %c0_i32_0 = arith.constant 0 : i32
    %c0_i32_1 = arith.constant 0 : i32
    return %c0_i32, %c0_i32_0 : i32, i32
  }
  func.func @transform_6(%arg0: i32) -> (i32, i32) {
    %c0_i32 = arith.constant 0 : i32
    %c0_i32_0 = arith.constant 0 : i32
    return %arg0, %c0_i32 : i32, i32
  }
  func.func @transform_7(%arg0: i32) -> (i32, i32) {
    %c0_i32 = arith.constant 0 : i32
    %c0_i32_0 = arith.constant 0 : i32
    return %arg0, %c0_i32 : i32, i32
  }
}

</mosaic_0001>

<sc_bundles>
// kernel: kernel.4.cloned.1.call-start
scs
__scs_entry_jumppad:
0x0: {  	(pc) =	sbr.rel $0x88, $3  }
0x1: {  	(tag) =	ssettag $0x0;
	lr =	simm.s32 $0x1  }
0x2: {  	[smem:$0x3F98] =	sst lr;
	_ =	strace $0xD0000000  }
0x3: {  	_ = 	snop  }
0x4: {  	_ = 	snop  }
0x5: {  	_ = 	snop  }
0x6: {  	_ = 	snop  }
0x7: {  	_ = 	snop  }
__scs_overlays_trampoline_lowered:
0x8: {  	[smem:$0x3FA7] =	sst s0  }
0x9: {  	[smem:$0x3FA8] =	sst s1  }
0xa: {  	[smem:$0x3FA9] =	sst s2  }
0xb: {  	[smem:$0x3FAA] =	sst s3  }
0xc: {  	[smem:$0x3FAB] =	sst s4  }
0xd: {  	[smem:$0x3FAC] =	sst s5  }
0xe: {  	[smem:$0x3FAD] =	sst s6  }
0xf: {  	[smem:$0x3FAE] =	sst s7  }
0x10: {  	[smem:$0x3FAF] =	sst s8  }
0x11: {  	[smem:$0x3FB0] =	sst s9;
	s0 =	simm.s32 @!p0 $0x0  }
0x12: {  	s1 =	sld [smem:$0x3F96];
	s0 =	simm.s32 @p0 $0x1  }
0x13: {  	[smem:$0x3FB1] =	sst s0;
	s0 =	simm.s32 @!p1 $0x0  }
0x14: {  	s2 =	sld [smem:$0x3F95];
	s0 =	simm.s32 @p1 $0x1  }
0x15: {  	[smem:$0x3FB2] =	sst s0;
	s0 =	simm.s32 @!p2 $0x0  }
0x16: {  	s3 =	sld [smem:$0x3FDB];
	s0 =	simm.s32 @p2 $0x1  }
0x17: {  	s4 =	simm.s32 $0x1BF5;
	[smem:$0x3FB4] =	sst s0  }
0x18: {  	s0 =	sld [smem:$0x3F97];
	_ =	swait.ge [sflag:s4], $0x0  }
0x19: {  	s7 =	sld [smem:$0x3F98]  }
0x1a: {  	s8 =	sadd.s32 $0xFFFFE003, lr  }
0x1b: {  	s9 =	sadd.s32 $0xFFFFFEF7, lr;
	s5 =	simm.s32 $0xFFFFFFFF;
	p2 =	slt.u32 s8, $0xFFFFF086  }
0x1c: {  	p1 =	slt.u32 s9, $0xF7A;
	s5 =	simm.s32 @!p2 $0x0  }
0x1d: {  	s5 =	simm.s32 @p1 $0x1;
	p0 =	seq.s32 s7, s2  }
0x1e: {  	s7 =	smul.u32 @!p0 $0xF7A, s2;
	p2 =	seq.s32 @!p0 s5, $0x0  }
0x1f: {  	s9 =	smul.u32 $0xF7A, s1;
	s8 =	simm.s32 @!p0 $0x1BF5;
	p2 =	por !p2, p0  }
0x20: {  	[sflag:s8] =	ssyncset.s32 @!p0 $0xFFFFF086;
	s6 =	sadd.s32 @!p0 s3, s7;
	s7 =	simm.s32 @!p0 $0x108  }
0x21: {  	s3 =	sadd.s32 s3, s9;
	s6 =	sadd.s32 @!p0 $0x88, s6;
	s7 =	simm.s32 @p2 $0x1082  }
0x22: {  	[simem:s7], [sflag:s8] =	dma.local @!p0 [hbm:s6], $0xF7A  }
0x23: {  	s9 =	sor.u32 $0xD0000000, s2;
	s6 =	simm.s32 $0x108;
	_ =	swait.ge @!p0 [sflag:s8], $0x0  }
0x24: {  	s3 =	sadd.s32 $0x88, s3;
	s6 =	simm.s32 @!p1 $0x1082;
	[sflag:s4] =	ssyncset.s32 $0xFFFFF086  }
0x25: {  	[simem:s6], [sflag:s4] =	dma.local [hbm:s3], $0xF7A  }
0x26: {  	[smem:$0x3F98] =	sst s1;
	(tag) =	ssettag s2;
	_ =	strace s9  }
0x27: {  	s1 =	sld [smem:$0x3FA8]  }
0x28: {  	s2 =	sld [smem:$0x3FA9]  }
0x29: {  	s4 =	sld [smem:$0x3FAB]  }
0x2a: {  	p0 =	seq.s32 s5, $0x0;
	s5 =	sld [smem:$0x3FAC]  }
0x2b: {  	s6 =	sld [smem:$0x3FAD]  }
0x2c: {  	s7 =	sld [smem:$0x3FAE]  }
0x2d: {  	s3 =	simm.s32 $0x108;
	s8 =	sld [smem:$0x3FAF]  }
0x2e: {  	s3 =	simm.s32 @!p0 $0x1082;
	s9 =	sld [smem:$0x3FB0]  }
0x2f: {  	lr =	sadd.s32 s0, s3;
	s0 =	sld [smem:$0x3FA7]  }
0x30: {  	s3 =	sld [smem:$0x3FAA]  }
0x31: {  	[smem:$0x3FB3] =	sst s10  }
0x32: {  	s10 =	sld [smem:$0x3FB1];
	_ =	sdelay $0x3  }
0x33: {  	p0 =	seq.s32 s10, $0x1;
	s10 =	sld [smem:$0x3FB3];
	_ =	sdelay $0x3  }
0x34: {  	[smem:$0x3FB3] =	sst s10  }
0x35: {  	s10 =	sld [smem:$0x3FB2];
	_ =	sdelay $0x3  }
0x36: {  	p1 =	seq.s32 s10, $0x1;
	s10 =	sld [smem:$0x3FB3];
	_ =	sdelay $0x3  }
0x37: {  	[smem:$0x3FB3] =	sst s10  }
0x38: {  	s10 =	sld [smem:$0x3FB4]  }
0x39: {  	_ = 	snop;
	(pc) =	sbr.ind lr, $3  }
0x3a: {  	_ = 	snop  }
0x3b: {  	_ = 	snop  }
0x3c: {  	p2 =	seq.s32 s10, $0x1;
	s10 =	sld [smem:$0x3FB3]  }
0x3d: {  	_ =	shalt  }
0x3e: {  	_ =	shalt  }
0x3f: {  	_ =	shalt  }
0x40: {  	_ =	shalt  }
0x41: {  	_ =	shalt  }
0x42: {  	_ =	shalt  }
0x43: {  	_ =	shalt  }
0x44: {  	_ =	shalt  }
0x45: {  	_ =	shalt  }
0x46: {  	_ =	shalt  }
0x47: {  	_ =	shalt  }
0x48: {  	_ =	shalt  }
0x49: {  	_ =	shalt  }
0x4a: {  	_ =	shalt  }
0x4b: {  	_ =	shalt  }
0x4c: {  	_ =	shalt  }
0x4d: {  	_ =	shalt  }
0x4e: {  	_ =	shalt  }
0x4f: {  	_ =	shalt  }
0x50: {  	_ =	shalt  }
0x51: {  	_ =	shalt  }
0x52: {  	_ =	shalt  }
0x53: {  	_ =	shalt  }
0x54: {  	_ =	shalt  }
0x55: {  	_ =	shalt  }
0x56: {  	_ =	shalt  }
0x57: {  	_ =	shalt  }
0x58: {  	_ =	shalt  }
0x59: {  	_ =	shalt  }
0x5a: {  	_ =	shalt  }
0x5b: {  	_ =	shalt  }
0x5c: {  	_ =	shalt  }
0x5d: {  	_ =	shalt  }
0x5e: {  	_ =	shalt  }
0x5f: {  	_ =	shalt  }
0x60: {  	_ =	shalt  }
0x61: {  	_ =	shalt  }
0x62: {  	_ =	shalt  }
0x63: {  	_ =	shalt  }
0x64: {  	_ =	shalt  }
0x65: {  	_ =	shalt  }
0x66: {  	_ =	shalt  }
0x67: {  	_ =	shalt  }
0x68: {  	_ =	shalt  }
0x69: {  	_ =	shalt  }
0x6a: {  	_ =	shalt  }
0x6b: {  	_ =	shalt  }
0x6c: {  	_ =	shalt  }
0x6d: {  	_ =	shalt  }
0x6e: {  	_ =	shalt  }
0x6f: {  	_ =	shalt  }
0x70: {  	_ =	shalt  }
0x71: {  	_ =	shalt  }
0x72: {  	_ =	shalt  }
0x73: {  	_ =	shalt  }
0x74: {  	_ =	shalt  }
0x75: {  	_ =	shalt  }
0x76: {  	_ =	shalt  }
0x77: {  	_ =	shalt  }
0x78: {  	_ =	shalt  }
0x79: {  	_ =	shalt  }
0x7a: {  	_ =	shalt  }
0x7b: {  	_ =	shalt  }
0x7c: {  	_ =	shalt  }
0x7d: {  	_ =	shalt  }
0x7e: {  	_ =	shalt  }
0x7f: {  	_ =	shalt  }
0x80: {  	_ =	shalt  }
0x81: {  	_ =	shalt  }
0x82: {  	_ =	shalt  }
0x83: {  	_ =	shalt  }
0x84: {  	_ =	shalt  }
0x85: {  	_ =	shalt  }
0x86: {  	_ =	shalt  }
0x87: {  	_ =	shalt  }
.Lfunc_end0:
.L_simem_size_0:
called_computation_lowered:
.L_overlay_start_0:
0x88: {  	s2 =	sld [smem:$0x3FD9]  }
0x89: {  	s3 =	sld [smem:$0x3FFE];
	_ =	sdelay $0x1  }
0x8a: {  	s1 =	srdreg.scid  }
0x8b: {  	s0 =	sand.u32 $0x1, s1  }
0x8c: {  	s15 =	sshll.u32 s0, $0xA;
	s2 =	sadd.s32 s3, s2  }
0x8d: {  	s2 =	sadd.s32 s2, s15  }
0x8e: {  	[smem:$0x3FBF] =	sst s2  }
0x8f: {  	_ = 	snop  }
0x90: {  	s2 =	sld [smem:$0x3FD0]  }
0x91: {  	s16 =	sld [smem:$0x3FC9]  }
0x92: {  	s4 =	sld [smem:$0x3FC8]  }
0x93: {  	s6 =	simm.s32 $0xA;
	s7 =	simm.s32 $0x10;
	s5 =	sld [smem:$0x3FC7]  }
0x94: {  	[smem:s7], [sflag:s6] =	dma.local [hbm:s2], $0x1  }
0x95: {  	_ =	swait.eq [sflag:s6], $0x1  }
0x96: {  	[sflag:s6] =	ssyncset.done $0x0  }
0x97: {  	s17 =	sld [smem:$0x10];
	[sflag:s6] =	ssyncadd.s32 $0xFFFFFFFF  }
0x98: {  	s18 =	sld [smem:$0x11];
	(tm) =	ssettm $0x1  }
0x99: {  	s19 =	sld [smem:$0x3FFB];
	_ =	sdelay $0x3  }
0x9a: {  	_ =	strace s19  }
0x9b: {  	s7 =	sld [smem:$0x3FFC];
	_ =	sdelay $0x3  }
0x9c: {  	_ =	strace s7  }
0x9d: {  	s7 =	sld [smem:$0x3FFD];
	_ =	sdelay $0x3  }
0x9e: {  	_ =	strace s7  }
0x9f: {  	_ =	strace $0x8FFFFFFF  }
0xa0: {  	s20 =	sld [smem:$0x3FDB];
	_ =	sdelay $0x1  }
0xa1: {  	s8 =	simm.s32 $_scs_section_size  }
0xa2: {  	s9 =	simm.s32 $_size__tile_overlayer_lowered;
	s10 =	simm.s32 $_tile_overlayer_lowered  }
0xa3: {  	s23 =	simm.s32 $0x1BFF;
	s22 =	sshll.u32 s10, $0x1;
	s7 =	sadd.s32 s8, s20  }
0xa4: {  	s11 =	simm.s32 $0x0;
	s21 =	sshll.u32 s9, $0x1;
	s9 =	sadd.s32 s22, s7  }
0xa5: {  	[timem:s11], [sflag:s23] =	dma.local [hbm:s9], s21  }
0xa6: {  	_ =	swait.ge [sflag:s23], s21  }
0xa7: {  	s8 =	ssub.s32 $0x0, s21;
	[sflag:s23] =	ssyncset.done $0x0  }
0xa8: {  	[sflag:s23] =	ssyncadd.s32 s8;
	_ =	sdelay $0x1  }
0xa9: {  	s24 =	simm.s32 $0x1B8B  }
0xaa: {  	_ =	swait.ge [sflag:s24], $0x1  }
0xab: {  	[sflag:s24] =	ssyncset.done $0x0  }
0xac: {  	s25 =	simm.s32 $0x1B8E;
	[sflag:s24] =	ssyncadd.s32 $0xFFFFFFFF  }
0xad: {  	s26 =	simm.s32 $execute0_lowered;
	[smem:$0x3FD2] =	sst s25  }
0xae: {  	s8 =	sshll.u32 s26, $0x1;
	_ =	strace $0x80000046;
	[dreg:$0x1] =	wrdreg $0xFFFFFFFF  }
0xaf: {  	s28 =	simm.s32 $_size_execute0_lowered;
	s7 =	sadd.s32 s7, s8;
	[dreg:$0x0] =	wrdreg $0x0  }
0xb0: {  	s8 =	sshll.u32 s28, $0x1;
	[dreg:$0x2] =	wrdreg s7  }
0xb1: {  	[dreg:$0x3] =	wrdreg s8  }
0xb2: {  	[dreg:$0x4] =	wrdreg $0xC0  }
0xb3: {  	_ =	task [dreg:s11], $0x5FFFF  }
0xb4: {  	[dreg:$0x1] =	wrdreg $0xFFFFFFFF  }
0xb5: {  	[dreg:$0x0] =	wrdreg $0x60  }
0xb6: {  	[dreg:$0x2] =	wrdreg s16  }
0xb7: {  	[dreg:$0x3] =	wrdreg s4  }
0xb8: {  	[dreg:$0x4] =	wrdreg s5  }
0xb9: {  	[dreg:$0x5] =	wrdreg s18  }
0xba: {  	[dreg:$0x6] =	wrdreg s17  }
0xbb: {  	[dreg:$0x7] =	wrdreg $0x10D000  }
0xbc: {  	[dreg:$0x8] =	wrdreg $0x9  }
0xbd: {  	_ =	task.clear_ibuf [dreg:s11], $0x9FFFF;
	_ =	strace $0x90000046  }
0xbe: {  	s29 =	simm.s32 $0x9;
	_ =	strace $0x80000048  }
0xbf: {  	_ =	swait.ge [sflag:s29], $0x1  }
0xc0: {  	[sflag:s29] =	ssyncadd.s32 $0xFFFFFFFF  }
0xc1: {  	_ =	strace $0x90000048  }
0xc2: {  	_ =	sfence  }
0xc3: {  	s30 =	sld [smem:$0x0];
	_ =	sdelay $0x2  }
0xc4: {  	s31 =	sshll.u32 s1, $0xD;
	s1 =	sshrl.u32 s1, $0x2  }
0xc5: {  	s3 =	sand.u32 $0x4000, s31;
	s1 =	sadd.s32 s1, s30  }
0xc6: {  	s0 =	sor.u32 s3, s0;
	s1 =	sshll.u32 s1, $0x11  }
0xc7: {  	s0 =	sor.u32 s1, s0  }
0xc8: {  	s0 =	sadd.s32 $0x8F2B, s0  }
0xc9: {  	[sflag:s0] =	ssyncadd.remote.s32 $0x1  }
0xca: {  	_ =	sfence.sel $0xFFFF  }
0xcb: {  	[dreg:$0x0] =	wrdreg $0xFFFFFFFF;
	(pc) =	sbr.abs _section_cstart, $3  }
0xcc: {  	[dreg:$0x1] =	wrdreg $0xFFFFFFFF  }
0xcd: {  	_ =	task.clear_ibuf [dreg:s11], $0x2FFFF;
	_ =	strace $0x9FFFFFFF  }
0xce: {  	(tm) =	ssettm $0x7FFFFFFF  }
0xcf: {  	_ =	shalt  }
tec
execute0_lowered:
.L_overlay_start_1:
0x0: {  	(tag) =	ssettag $0x1  }
0x1: {  	s1 =	rddreg [dreg:$0x0]  }
0x2: {  	s2 =	rddreg [dreg:$0x1]  }
0x3: {  	s3 =	rddreg [dreg:$0x2]  }
0x4: {  	s0 =	rddreg [dreg:$0x4]  }
0x5: {  	s6 =	rddreg [dreg:$0x5]  }
0x6: {  	s4 =	srdreg.scid;
	s7 =	simm.s32 $0x0;
	s14 =	stileid.u32  }
0x7: {  	s28 =	simm.s32 $0x1;
	s29 =	simm.s32 $0x100;
	s30 =	simm.s32 $0x300  }
0x8: {  	s31 =	simm.s32 $0x8400;
	s4 =	sand.u32 $0x1, s4;
	s9 =	smul.u32 $0x28000, s14  }
0x9: {  	[smem:$0x7FF] =	sst s7;
	s17 =	sshll.u32 s14, $0x6;
	s13 =	smul.u32 $0xA000, s14  }
0xa: {  	s5 =	sshll.u32 s4, $0x4;
	_ =	strace $0x80000047;
	s26 =	smul.u32 $0xA0000, s4  }
0xb: {  	s10 =	ssub.s32 $0x2, s4;
	s15 =	sor.u32 $0x1C09, s17;
	s4 =	smul.u32 $0x27100, s4  }
0xc: {  	s17 =	simm.s32 $0x0;
	s5 =	sor.u32 s14, s5;
	s11 =	sshrl.u32 s10, $0x1  }
0xd: {  	s24 =	sshrl.u32 s9, $0x2;
	s14 =	smul.u32 $0x2710, s14;
	[dreg:$0x8] =	wrdreg s15  }
0xe: {  	s8 =	smul.u32 $0x2710, s5;
	s25 =	ssub.s32 s10, s11;
	s5 =	sadd.s32 s24, s6  }
0xf: {  	s10 =	sadd.s32 s13, s26;
	s13 =	simm.s32 $0x4;
	s4 =	sadd.s32 s14, s4  }
0x10: {  	s10 =	sshrl.u32 s10, $0x3;
	s9 =	smax.u32 s25, $0x1;
	s14 =	simm.s32 $0x6  }
0x11: {  	s12 =	sshrl.u32 s8, $0x3;
	s0 =	sadd.s32 s0, s10;
	[dreg:$0x10] =	wrdreg s9  }
0x12: {  	s22 =	sadd.s32 $0x280, s4;
	s23 =	sadd.s32 $0x200, s4;
	[dreg:$0xf] =	wrdreg s0  }
0x13: {  	s4 =	simm.s32 $0x380;
	s18 =	sadd.s32 s2, s12;
	[dreg:$0x7] =	wrdreg s23  }
0x14: {  	s19 =	sadd.s32 s3, s12;
	s20 =	sadd.s32 $0x10, s12;
	[dreg:$0x9] =	wrdreg s18  }
0x15: {  	s10 =	simm.s32 $0xC400;
	[dreg:$0xa] =	wrdreg s19;
	s16 =	sadd.s32 s2, s20  }
0x16: {  	s21 =	sadd.s32 $0x4E0, s12;
	s11 =	sadd.s32 s3, s20;
	[dreg:$0xb] =	wrdreg s16  }
0x17: {  	s24 =	sshrl.u32 s22, $0x3;
	s12 =	sadd.s32 s2, s21;
	[dreg:$0xc] =	wrdreg s11  }
0x18: {  	s23 =	simm.s32 $0x80;
	s25 =	sadd.s32 s24, s3;
	[dreg:$0xd] =	wrdreg s12  }
0x19: {  	s0 =	simm.s32 $0x2;
	s26 =	sadd.s32 s24, s2;
	[dreg:$0x11] =	wrdreg s25  }
0x1a: {  	s24 =	simm.s32 $0x200;
	s11 =	sadd.s32 s3, s21;
	[dreg:$0x12] =	wrdreg s26  }
0x1b: {  	s16 =	sshrl.u32 s5, $0x3;
	s21 =	simm.s32 $0x9;
	s26 =	simm.s32 $0x4400  }
0x1c: {  	s5 =	simm.s32 $0x180;
	s12 =	simm.s32 $0x5;
	[dreg:$0xe] =	wrdreg s11  }
0x1d: {  	s25 =	simm.s32 $0x400;
	s11 =	simm.s32 $0x3;
	[dreg:$0x13] =	wrdreg s16  }
.LBB2_1:
0x1e: {  	[dreg:$0x14] =	wrdreg s17  }
0x1f: {  	s9 =	rddreg [dreg:$0x3]  }
0x20: {  	[spmem:s16], [sflag:s15] =	dma.local [hbm:s9], $0x1400  }
0x21: {  	_ =	swait.ge [sflag:s21], $0x1400  }
0x22: {  	[sflag:s21] =	ssyncset.done $0x0  }
0x23: {  	[sflag:s21] =	ssyncadd.s32 $0xFFFFEC00  }
0x24: {  	[bflag:$0x0] =	sbarrier.arrive $0xFFFF  }
0x25: {  	s18 =	rddreg [dreg:$0x9]  }
0x26: {  	[tilespmem:s7], [sflag:$0x9] =	stream.linear.gather [hbm4b:s18+s7], $0x80, $0x38;
	[tilespmem:$0x1AD00] =	vst v63  }
0x27: {  	_ =	swait.ge [sflag:s21], $0x80  }
0x28: {  	[sflag:s21] =	ssyncset.done $0x0  }
0x29: {  	s17 =	simm.s32 $0x200;
	s19 =	rddreg [dreg:$0xa];
	[sflag:s21] =	ssyncadd.s32 $0xFFFFFF80  }
0x2a: {  	[tilespmem:s17], [sflag:$0x9] =	stream.linear.gather [hbm4b:s19+s7], $0x80, $0x38;
	[tilespmem:$0x1AD00] =	vst v63  }
0x2b: {  	_ =	swait.ge [sflag:s21], $0x80  }
0x2c: {  	[sflag:s21] =	ssyncset.done $0x0  }
0x2d: {  	s19 =	simm.s32 $0x400;
	[sflag:s21] =	ssyncadd.s32 $0xFFFFFF80  }
0x2e: {  	[tilespmem:s19], [sflag:$0x1] =	stream.indirect.gather [hbm4b:s1+s23], $0x80, s7, s23, $0xb8;
	[tilespmem:$0x1AD00] =	vst v63  }
0x2f: {  	s20 =	rddreg [dreg:$0xb]  }
0x30: {  	[tilespmem:s23], [sflag:$0x9] =	stream.linear.gather [hbm4b:s20+s7], $0x80, $0x38;
	[tilespmem:$0x1AD00] =	vst v63  }
0x31: {  	_ =	swait.ge [sflag:s21], $0x80  }
0x32: {  	[sflag:s21] =	ssyncset.done $0x0  }
0x33: {  	s20 =	simm.s32 $0x280;
	s22 =	rddreg [dreg:$0xc];
	[sflag:s21] =	ssyncadd.s32 $0xFFFFFF80  }
0x34: {  	[tilespmem:s20], [sflag:$0x9] =	stream.linear.gather [hbm4b:s22+s7], $0x80, $0x38;
	[tilespmem:$0x1AD00] =	vst v63  }
0x35: {  	_ =	swait.ge [sflag:s21], $0x80  }
0x36: {  	[sflag:s21] =	ssyncset.done $0x0  }
0x37: {  	[sflag:s21] =	ssyncadd.s32 $0xFFFFFF80  }
0x38: {  	[tilespmem:s26], [sflag:$0x2] =	stream.indirect.gather [hbm4b:s1+s23], $0x80, s23, s23, $0xb8;
	[tilespmem:$0x1AD00] =	vst v63  }
0x39: {  	p0 =	por $0x1, $0x1;
	_ =	swait.ge [sflag:s28], $0x4000  }
0x3a: {  	s15 =	simm.s32 @!p0 $0x100;
	[sflag:s28] =	ssyncset.done $0x0  }
0x3b: {  	s16 =	simm.s32 @!p0 $0x7;
	s15 =	simm.s32 @p0 $0x100;
	[sflag:s28] =	ssyncadd.s32 $0xFFFFC000  }
0x3c: {  	[spmem:s6] =	stream.indirect.scatter.add.f32 [tilespmem:s19], [sflag:$0x5], $0x80, s17, s23, $0xb8;
	[tilespmem:$0x1AD00] =	vst v63  }
0x3d: {  	s15 =	sadd.s32 s8, s15;
	_ =	swait.ge @!p0 [sflag:s16], $0x4000  }
0x3e: {  	s15 =	sshrl.u32 s15, $0x3;
	[sflag:s16] =	ssyncset.done @!p0 $0x0  }
0x3f: {  	s18 =	sadd.s32 s2, s15;
	[sflag:s16] =	ssyncadd.s32 @!p0 $0xFFFFC000  }
0x40: {  	[tilespmem:s29], [sflag:$0x9] =	stream.linear.gather [hbm4b:s18+s7], $0x80, $0x38;
	[tilespmem:$0x1AD00] =	vst v63  }
0x41: {  	_ =	swait.ge [sflag:s21], $0x80  }
0x42: {  	[sflag:s21] =	ssyncset.done $0x0  }
0x43: {  	s15 =	sadd.s32 s3, s15;
	[sflag:s21] =	ssyncadd.s32 $0xFFFFFF80  }
0x44: {  	[tilespmem:s30], [sflag:$0x9] =	stream.linear.gather [hbm4b:s15+s7], $0x80, $0x38;
	[tilespmem:$0x1AD00] =	vst v63  }
0x45: {  	_ =	swait.ge [sflag:s21], $0x80  }
0x46: {  	[sflag:s21] =	ssyncset.done $0x0  }
0x47: {  	[sflag:s21] =	ssyncadd.s32 $0xFFFFFF80  }
0x48: {  	[tilespmem:s31], [sflag:$0x3] =	stream.indirect.gather [hbm4b:s1+s23], $0x80, s29, s23, $0xb8;
	[tilespmem:$0x1AD00] =	vst v63  }
0x49: {  	_ =	swait.ge [sflag:s0], $0x4000  }
0x4a: {  	s15 =	simm.s32 @!p0 $0x180;
	[sflag:s0] =	ssyncset.done $0x0  }
0x4b: {  	s16 =	simm.s32 @!p0 $0x8;
	s15 =	simm.s32 @p0 $0x180;
	[sflag:s0] =	ssyncadd.s32 $0xFFFFC000  }
0x4c: {  	[spmem:s6] =	stream.indirect.scatter.add.f32 [tilespmem:s26], [sflag:$0x6], $0x80, s20, s23, $0xb8;
	[tilespmem:$0x1AD00] =	vst v63  }
0x4d: {  	s15 =	sadd.s32 s8, s15;
	_ =	swait.ge @!p0 [sflag:s16], $0x4000  }
0x4e: {  	s15 =	sshrl.u32 s15, $0x3;
	[sflag:s16] =	ssyncset.done @!p0 $0x0  }
0x4f: {  	s9 =	sadd.s32 s2, s15;
	[sflag:s16] =	ssyncadd.s32 @!p0 $0xFFFFC000  }
0x50: {  	[tilespmem:s5], [sflag:$0x9] =	stream.linear.gather [hbm4b:s9+s7], $0x80, $0x38;
	[tilespmem:$0x1AD00] =	vst v63  }
0x51: {  	_ =	swait.ge [sflag:s21], $0x80  }
0x52: {  	[sflag:s21] =	ssyncset.done $0x0  }
0x53: {  	s15 =	sadd.s32 s3, s15;
	[sflag:s21] =	ssyncadd.s32 $0xFFFFFF80  }
0x54: {  	[tilespmem:s4], [sflag:$0x9] =	stream.linear.gather [hbm4b:s15+s7], $0x80, $0x38;
	[tilespmem:$0x1AD00] =	vst v63  }
0x55: {  	_ =	swait.ge [sflag:s21], $0x80  }
0x56: {  	[sflag:s21] =	ssyncset.done $0x0  }
0x57: {  	[sflag:s21] =	ssyncadd.s32 $0xFFFFFF80  }
0x58: {  	[tilespmem:s10], [sflag:$0x4] =	stream.indirect.gather [hbm4b:s1+s23], $0x80, s5, s23, $0xb8;
	[tilespmem:$0x1AD00] =	vst v63  }
0x59: {  	_ =	swait.ge [sflag:s11], $0x4000  }
0x5a: {  	[sflag:s11] =	ssyncset.done $0x0  }
0x5b: {  	[sflag:s11] =	ssyncadd.s32 $0xFFFFC000  }
0x5c: {  	[spmem:s6] =	stream.indirect.scatter.add.f32 [tilespmem:s31], [sflag:$0x7], $0x80, s30, s23, $0xb8;
	[tilespmem:$0x1AD00] =	vst v63  }
0x5d: {  	_ =	swait.ge [sflag:s12], $0x4000  }
0x5e: {  	s16 =	rddreg [dreg:$0x7]  }
0x5f: {  	s15 =	sadd.s32 $0x0, s16  }
0x60: {  	[sflag:s12] =	ssyncset.done $0x0;
	s15 =	sshrl.u32 s15, $0x3  }
0x61: {  	[sflag:s12] =	ssyncadd.s32 $0xFFFFC000;
	s18 =	sadd.s32 s2, s15  }
0x62: {  	[tilespmem:s7], [sflag:$0x9] =	stream.linear.gather [hbm4b:s18+s7], $0x80, $0x38;
	[tilespmem:$0x1AD00] =	vst v63  }
0x63: {  	_ =	swait.ge [sflag:s21], $0x80  }
0x64: {  	[sflag:s21] =	ssyncset.done $0x0  }
0x65: {  	s15 =	sadd.s32 s3, s15;
	[sflag:s21] =	ssyncadd.s32 $0xFFFFFF80  }
0x66: {  	[tilespmem:s17], [sflag:$0x9] =	stream.linear.gather [hbm4b:s15+s7], $0x80, $0x38;
	[tilespmem:$0x1AD00] =	vst v63  }
0x67: {  	_ =	swait.ge [sflag:s21], $0x80  }
0x68: {  	[sflag:s21] =	ssyncset.done $0x0  }
0x69: {  	[sflag:s21] =	ssyncadd.s32 $0xFFFFFF80  }
0x6a: {  	[tilespmem:s19], [sflag:$0x1] =	stream.indirect.gather [hbm4b:s1+s23], $0x80, s7, s23, $0xb8;
	[tilespmem:$0x1AD00] =	vst v63  }
0x6b: {  	_ =	swait.ge [sflag:s13], $0x4000  }
0x6c: {  	[sflag:s13] =	ssyncset.done $0x0  }
0x6d: {  	[sflag:s13] =	ssyncadd.s32 $0xFFFFC000  }
0x6e: {  	[spmem:s6] =	stream.indirect.scatter.add.f32 [tilespmem:s10], [sflag:$0x8], $0x80, s4, s23, $0xb8;
	[tilespmem:$0x1AD00] =	vst v63  }
0x6f: {  	_ =	swait.ge [sflag:s14], $0x4000  }
0x70: {  	[sflag:s14] =	ssyncset.done $0x0  }
0x71: {  	s22 =	rddreg [dreg:$0x12];
	[sflag:s14] =	ssyncadd.s32 $0xFFFFC000  }
0x72: {  	[tilespmem:s23], [sflag:$0x9] =	stream.linear.gather [hbm4b:s22+s7], $0x80, $0x38;
	[tilespmem:$0x1AD00] =	vst v63  }
0x73: {  	_ =	swait.ge [sflag:s21], $0x80  }
0x74: {  	[sflag:s21] =	ssyncset.done $0x0  }
0x75: {  	s18 =	rddreg [dreg:$0x11];
	[sflag:s21] =	ssyncadd.s32 $0xFFFFFF80  }
0x76: {  	[tilespmem:s20], [sflag:$0x9] =	stream.linear.gather [hbm4b:s18+s7], $0x80, $0x38;
	[tilespmem:$0x1AD00] =	vst v63  }
0x77: {  	s15 =	simm.s32 $0x200;
	s16 =	sadd.s32 $0x40, s22;
	_ =	swait.ge [sflag:s21], $0x80  }
.LBB2_2:
0x78: {  	[sflag:s21] =	ssyncset.done $0x0  }
0x79: {  	s19 =	smov.u32 s15;
	[sflag:s21] =	ssyncadd.s32 $0xFFFFFF80  }
0x7a: {  	[tilespmem:s26], [sflag:$0x2] =	stream.indirect.gather [hbm4b:s1+s23], $0x80, s23, s23, $0xb8;
	[tilespmem:$0x1AD00] =	vst v63  }
0x7b: {  	p1 =	seq.s32 s19, $0x0;
	_ =	swait.ge [sflag:s28], $0x4000  }
0x7c: {  	s9 =	sadd.s32 @!p1 $0x100, s19;
	[sflag:s28] =	ssyncset.done $0x0  }
0x7d: {  	s20 =	simm.s32 @!p1 $0x7;
	s9 =	simm.s32 @p1 $0x100;
	[sflag:s28] =	ssyncadd.s32 $0xFFFFC000  }
0x7e: {  	[spmem:s6] =	stream.indirect.scatter.add.f32 [tilespmem:s25], [sflag:$0x5], $0x80, s24, s23, $0xb8;
	[tilespmem:$0x1AD00] =	vst v63  }
0x7f: {  	s9 =	sadd.s32 s8, s9;
	_ =	swait.ge @!p1 [sflag:s20], $0x4000  }
0x80: {  	s9 =	sshrl.u32 s9, $0x3;
	[sflag:s20] =	ssyncset.done @!p1 $0x0  }
0x81: {  	s22 =	sadd.s32 s2, s9;
	[sflag:s20] =	ssyncadd.s32 @!p1 $0xFFFFC000  }
0x82: {  	[tilespmem:s29], [sflag:$0x9] =	stream.linear.gather [hbm4b:s22+s7], $0x80, $0x38;
	[tilespmem:$0x1AD00] =	vst v63  }
0x83: {  	_ =	swait.ge [sflag:s21], $0x80  }
0x84: {  	[sflag:s21] =	ssyncset.done $0x0  }
0x85: {  	s9 =	sadd.s32 s3, s9;
	[sflag:s21] =	ssyncadd.s32 $0xFFFFFF80  }
0x86: {  	[tilespmem:s30], [sflag:$0x9] =	stream.linear.gather [hbm4b:s9+s7], $0x80, $0x38;
	[tilespmem:$0x1AD00] =	vst v63  }
0x87: {  	_ =	swait.ge [sflag:s21], $0x80  }
0x88: {  	[sflag:s21] =	ssyncset.done $0x0  }
0x89: {  	[sflag:s21] =	ssyncadd.s32 $0xFFFFFF80  }
0x8a: {  	[tilespmem:s31], [sflag:$0x3] =	stream.indirect.gather [hbm4b:s1+s23], $0x80, s29, s23, $0xb8;
	[tilespmem:$0x1AD00] =	vst v63  }
0x8b: {  	s17 =	sadd.s32 @!p1 $0x180, s19;
	_ =	swait.ge [sflag:s0], $0x4000  }
0x8c: {  	s17 =	simm.s32 @p1 $0x180;
	[sflag:s0] =	ssyncset.done $0x0  }
0x8d: {  	s22 =	simm.s32 $0x280;
	s9 =	simm.s32 @!p1 $0x8;
	[sflag:s0] =	ssyncadd.s32 $0xFFFFC000  }
0x8e: {  	[spmem:s6] =	stream.indirect.scatter.add.f32 [tilespmem:s26], [sflag:$0x6], $0x80, s22, s23, $0xb8;
	[tilespmem:$0x1AD00] =	vst v63  }
0x8f: {  	s17 =	sadd.s32 s8, s17;
	_ =	swait.ge @!p1 [sflag:s9], $0x4000  }
0x90: {  	s17 =	sshrl.u32 s17, $0x3;
	[sflag:s9] =	ssyncset.done @!p1 $0x0  }
0x91: {  	s20 =	sadd.s32 s2, s17;
	[sflag:s9] =	ssyncadd.s32 @!p1 $0xFFFFC000  }
0x92: {  	[tilespmem:s5], [sflag:$0x9] =	stream.linear.gather [hbm4b:s20+s7], $0x80, $0x38;
	[tilespmem:$0x1AD00] =	vst v63  }
0x93: {  	_ =	swait.ge [sflag:s21], $0x80  }
0x94: {  	[sflag:s21] =	ssyncset.done $0x0  }
0x95: {  	s20 =	sadd.s32 s3, s17;
	[sflag:s21] =	ssyncadd.s32 $0xFFFFFF80  }
0x96: {  	[tilespmem:s4], [sflag:$0x9] =	stream.linear.gather [hbm4b:s20+s7], $0x80, $0x38;
	[tilespmem:$0x1AD00] =	vst v63  }
0x97: {  	_ =	swait.ge [sflag:s21], $0x80  }
0x98: {  	[sflag:s21] =	ssyncset.done $0x0  }
0x99: {  	[sflag:s21] =	ssyncadd.s32 $0xFFFFFF80  }
0x9a: {  	[tilespmem:s10], [sflag:$0x4] =	stream.indirect.gather [hbm4b:s1+s23], $0x80, s5, s23, $0xb8;
	[tilespmem:$0x1AD00] =	vst v63  }
0x9b: {  	_ =	swait.ge [sflag:s11], $0x4000  }
0x9c: {  	[sflag:s11] =	ssyncset.done $0x0  }
0x9d: {  	[sflag:s11] =	ssyncadd.s32 $0xFFFFC000  }
0x9e: {  	[spmem:s6] =	stream.indirect.scatter.add.f32 [tilespmem:s31], [sflag:$0x7], $0x80, s30, s23, $0xb8;
	[tilespmem:$0x1AD00] =	vst v63  }
0x9f: {  	_ =	swait.ge [sflag:s12], $0x4000  }
0xa0: {  	s17 =	rddreg [dreg:$0x7]  }
0xa1: {  	s9 =	sadd.s32 s19, s17  }
0xa2: {  	[sflag:s12] =	ssyncset.done $0x0;
	s9 =	sshrl.u32 s9, $0x3  }
0xa3: {  	[sflag:s12] =	ssyncadd.s32 $0xFFFFC000;
	s20 =	sadd.s32 s2, s9  }
0xa4: {  	[tilespmem:s7], [sflag:$0x9] =	stream.linear.gather [hbm4b:s20+s7], $0x80, $0x38;
	[tilespmem:$0x1AD00] =	vst v63  }
0xa5: {  	_ =	swait.ge [sflag:s21], $0x80  }
0xa6: {  	[sflag:s21] =	ssyncset.done $0x0  }
0xa7: {  	s9 =	sadd.s32 s3, s9;
	[sflag:s21] =	ssyncadd.s32 $0xFFFFFF80  }
0xa8: {  	[tilespmem:s24], [sflag:$0x9] =	stream.linear.gather [hbm4b:s9+s7], $0x80, $0x38;
	[tilespmem:$0x1AD00] =	vst v63  }
0xa9: {  	_ =	swait.ge [sflag:s21], $0x80  }
0xaa: {  	[sflag:s21] =	ssyncset.done $0x0  }
0xab: {  	[sflag:s21] =	ssyncadd.s32 $0xFFFFFF80  }
0xac: {  	[tilespmem:s25], [sflag:$0x1] =	stream.indirect.gather [hbm4b:s1+s23], $0x80, s7, s23, $0xb8;
	[tilespmem:$0x1AD00] =	vst v63  }
0xad: {  	_ =	swait.ge [sflag:s13], $0x4000  }
0xae: {  	[sflag:s13] =	ssyncset.done $0x0  }
0xaf: {  	[sflag:s13] =	ssyncadd.s32 $0xFFFFC000  }
0xb0: {  	[spmem:s6] =	stream.indirect.scatter.add.f32 [tilespmem:s10], [sflag:$0x8], $0x80, s4, s23, $0xb8;
	[tilespmem:$0x1AD00] =	vst v63  }
0xb1: {  	_ =	swait.ge [sflag:s14], $0x4000  }
0xb2: {  	s15 =	sadd.s32 $0x200, s15;
	[sflag:s14] =	ssyncset.done $0x0  }
0xb3: {  	p0 =	sne.s32 s15, $0x2600;
	[sflag:s14] =	ssyncadd.s32 $0xFFFFC000  }
0xb4: {  	[tilespmem:s23], [sflag:$0x9] =	stream.linear.gather [hbm4b:s16+s7], $0x80, $0x38;
	[tilespmem:$0x1AD00] =	vst v63  }
.Ltmp0:
0xb5: {  	_ =	swait.ge [sflag:s21], $0x80;
	(pc) =	sbr.rel @p0 .LBB2_2-.Ltmp0, $4  }
0xb6: {  	s18 =	sadd.s32 $0x40, s18;
	[sflag:s21] =	ssyncset.done $0x0  }
0xb7: {  	s17 =	simm.s32 $0x200;
	s19 =	simm.s32 $0x280;
	[sflag:s21] =	ssyncadd.s32 $0xFFFFFF80  }
0xb8: {  	[tilespmem:s22], [sflag:$0x9] =	stream.linear.gather [hbm4b:s18+s7], $0x80, $0x38;
	[tilespmem:$0x1AD00] =	vst v63  }
0xb9: {  	s9 =	simm.s32 $0x400;
	s16 =	sadd.s32 $0x40, s16;
	_ =	swait.ge [sflag:s21], $0x80  }
0xba: {  	[sflag:s21] =	ssyncset.done $0x0  }
0xbb: {  	[sflag:s21] =	ssyncadd.s32 $0xFFFFFF80  }
0xbc: {  	[tilespmem:s26], [sflag:$0x2] =	stream.indirect.gather [hbm4b:s1+s23], $0x80, s23, s23, $0xb8;
	[tilespmem:$0x1AD00] =	vst v63  }
0xbd: {  	_ =	swait.ge [sflag:s28], $0x4000  }
0xbe: {  	[sflag:s28] =	ssyncset.done $0x0  }
0xbf: {  	s18 =	simm.s32 $0x7;
	[sflag:s28] =	ssyncadd.s32 $0xFFFFC000  }
0xc0: {  	[spmem:s6] =	stream.indirect.scatter.add.f32 [tilespmem:s9], [sflag:$0x5], $0x80, s17, s23, $0xb8;
	[tilespmem:$0x1AD00] =	vst v63  }
0xc1: {  	_ =	swait.ge [sflag:s18], $0x4000  }
0xc2: {  	[sflag:s18] =	ssyncset.done $0x0  }
0xc3: {  	[sflag:s18] =	ssyncadd.s32 $0xFFFFC000  }
0xc4: {  	_ =	swait.ge [sflag:s0], $0x4000  }
0xc5: {  	[sflag:s0] =	ssyncset.done $0x0  }
0xc6: {  	[sflag:s0] =	ssyncadd.s32 $0xFFFFC000  }
0xc7: {  	[spmem:s6] =	stream.indirect.scatter.add.f32 [tilespmem:s26], [sflag:$0x6], $0x80, s19, s23, $0xb8;
	[tilespmem:$0x1AD00] =	vst v63  }
0xc8: {  	s19 =	simm.s32 $0x8  }
0xc9: {  	_ =	swait.ge [sflag:s19], $0x4000  }
0xca: {  	[sflag:s19] =	ssyncset.done $0x0  }
0xcb: {  	[sflag:s19] =	ssyncadd.s32 $0xFFFFC000  }
0xcc: {  	_ =	swait.ge [sflag:s12], $0x4000  }
0xcd: {  	[sflag:s12] =	ssyncset.done $0x0  }
0xce: {  	[sflag:s12] =	ssyncadd.s32 $0xFFFFC000  }
0xcf: {  	_ =	swait.ge [sflag:s14], $0x4000  }
0xd0: {  	[sflag:s14] =	ssyncset.done $0x0  }
0xd1: {  	s15 =	simm.s32 $0x10400;
	s20 =	rddreg [dreg:$0xd];
	[sflag:s14] =	ssyncadd.s32 $0xFFFFC000  }
0xd2: {  	[tilespmem:s15], [sflag:$0x9] =	stream.linear.gather [hbm4b:s20+s7], $0x10, $0x38;
	[tilespmem:$0x1AD00] =	vst v63  }
0xd3: {  	_ =	swait.ge [sflag:s21], $0x10  }
0xd4: {  	[sflag:s21] =	ssyncset.done $0x0  }
0xd5: {  	s16 =	simm.s32 $0x10480;
	s22 =	rddreg [dreg:$0xe];
	[sflag:s21] =	ssyncadd.s32 $0xFFFFFFF0  }
0xd6: {  	[tilespmem:s16], [sflag:$0x9] =	stream.linear.gather [hbm4b:s22+s7], $0x10, $0x38;
	[tilespmem:$0x1AD00] =	vst v63  }
0xd7: {  	_ =	swait.ge [sflag:s21], $0x10  }
0xd8: {  	[sflag:s21] =	ssyncset.done $0x0  }
0xd9: {  	s17 =	simm.s32 $0x10;
	s18 =	simm.s32 $0x10500;
	[sflag:s21] =	ssyncadd.s32 $0xFFFFFFF0  }
0xda: {  	[tilespmem:s18], [sflag:$0x1] =	stream.indirect.gather [hbm4b:s1+s17], $0x80, s15, s17, $0xb8;
	[tilespmem:$0x1AD00] =	vst v63  }
0xdb: {  	_ =	swait.ge [sflag:s28], $0x800  }
0xdc: {  	[sflag:s28] =	ssyncset.done $0x0  }
0xdd: {  	[sflag:s28] =	ssyncadd.s32 $0xFFFFF800  }
0xde: {  	[spmem:s6] =	stream.indirect.scatter.add.f32 [tilespmem:s18], [sflag:$0x9], $0x80, s16, s17, $0xb8;
	[tilespmem:$0x1AD00] =	vst v63  }
0xdf: {  	_ =	swait.ge [sflag:s21], $0x800  }
0xe0: {  	[sflag:s21] =	ssyncset.done $0x0  }
0xe1: {  	[sflag:s21] =	ssyncadd.s32 $0xFFFFF800  }
0xe2: {  	[bflag:$0x0] =	sbarrier.arrive $0xFFFF  }
0xe3: {  	s15 =	rddreg [dreg:$0x8]  }
0xe4: {  	s19 =	rddreg [dreg:$0xf]  }
0xe5: {  	s16 =	rddreg [dreg:$0x13]  }
0xe6: {  	[hbm:s19], [sflag:s15] =	dma.local [spmem:s16], $0x1400  }
0xe7: {  	_ =	swait.ge [sflag:s21], $0x1400  }
0xe8: {  	s20 =	rddreg [dreg:$0x14]  }
0xe9: {  	s22 =	rddreg [dreg:$0x10];
	s17 =	sadd.s32 $0x1, s20  }
0xea: {  	p0 =	sne.s32 s17, s22  }
.Ltmp1:
0xeb: {  	_ = 	snop;
	(pc) =	sbr.rel @p0 .LBB2_1-.Ltmp1, $3  }
0xec: {  	_ =	sdelay $0x1  }
0xed: {  	[sflag:s21] =	ssyncset.done $0x0  }
0xee: {  	[sflag:s21] =	ssyncadd.s32 $0xFFFFEC00  }
0xef: {  	_ =	sfence.sel $0x180000  }
0xf0: {  	[bflag:$0x0] =	sbarrier.arrive $0xFFFF  }
0xf1: {  	_ =	strace $0x90000047  }
0xf2: {  	s0 =	stileid.u32;
	[bflag:$0x2] =	sbarrier.arrive $0xFFFF  }
0xf3: {  	p0 =	sne.s32 s0, $0x0;
	s0 =	rddreg [dreg:$0x6]  }
0xf4: {  	s0 =	sadd.s32 @!p0 $0x100000, s0  }
0xf5: {  	[sflag:s0] =	ssyncadd.tile.s32 @!p0 $0x1;
	_ =	shalt  }
.Lfunc_end2:
_tile_overlayer_lowered:
.L_overlay_start_2:
0xf6: {  	(tag) =	ssettag $0x2  }
0xf7: {  	s0 =	rddreg [dreg:$0x0];
	s2 =	stileid.u32  }
0xf8: {  	s1 =	rddreg [dreg:$0x1];
	p0 =	sne.s32 s2, $0x0  }
0xf9: {  	s3 =	rddreg [dreg:$0x2];
	[bflag:$0x3] =	sbarrier.arrive $0xFFFF;
	s2 =	simm.s32 @!p0 $0x1C09  }
0xfa: {  	[timem:s3], [sflag:s2] =	dma.local @!p0 [hbm:s0], s1  }
0xfb: {  	s0 =	simm.s32 @!p0 $0x9  }
0xfc: {  	_ =	swait.ge @!p0 [sflag:s0], s1  }
0xfd: {  	s1 =	ssub.s32 @!p0 $0x0, s1;
	[sflag:s0] =	ssyncset.done @!p0 $0x0  }
0xfe: {  	[sflag:s0] =	ssyncadd.s32 @!p0 s1  }
0xff: {  	[bflag:$0x3] =	sbarrier.arrive $0xFFFF  }
0x100: {  	_ =	shalt  }

</sc_bundles>
